<compile_context>
chip_gen: v7x
topology: tpu7x:2x2x1
jax: 0.10.2.dev20260603
libtpu: 0.0.44.dev20260713+nightly
codegen_flags: <defaults>
</compile_context>

<pallas_src>
import functools
import math

import jax
import jax.numpy as jnp
from jax import lax
from jax.experimental import pallas as pl
from jax.experimental.pallas import tpu as pltpu
from jax.experimental.pallas import tpu_sc as plsc

VOCAB = 100000
D = 2048
B_TOTAL = 4 * 4096
LANES = 16

NC = 2
NS = 16
NW = NC * NS
B_PER_W = B_TOTAL // NW
CHUNK = 8
N_CHUNKS = B_PER_W // CHUNK
NBUF = 6
LEAD = 4
K = NBUF - LEAD
N_MAIN = (N_CHUNKS // NBUF) * NBUF
SCALE = math.sqrt(D)

_mesh = plsc.VectorSubcoreMesh(core_axis_name="c", subcore_axis_name="s")


@functools.partial(
    pl.kernel,
    out_type=jax.ShapeDtypeStruct((B_TOTAL, D), jnp.float32),
    mesh=_mesh,
    scratch_types=[
        pltpu.VMEM((B_PER_W,), jnp.int32),
        pltpu.VMEM((NBUF, CHUNK, D), jnp.float32),
        *([pltpu.SemaphoreType.DMA] * 12),
    ],
)
def _embed_sc(idx_hbm, table_hbm, out_hbm, idx_v, buf, *sems):
    gsem = sems[:NBUF]
    ssem = sems[NBUF:]
    wid = lax.axis_index("s") * NC + lax.axis_index("c")
    base = wid * B_PER_W
    pltpu.sync_copy(idx_hbm.at[pl.ds(base, B_PER_W)], idx_v)

    def gather_desc(g, b):
        return pltpu.make_async_copy(
            table_hbm.at[idx_v.at[pl.ds(g * CHUNK, CHUNK)]],
            buf.at[b],
            gsem[b],
        )

    def store_desc(g, b):
        return pltpu.make_async_copy(
            buf.at[b],
            out_hbm.at[pl.ds(base + g * CHUNK, CHUNK)],
            ssem[b],
        )

    def scale_buf(b):
        @pl.loop(0, CHUNK)
        def _row(r):
            @plsc.parallel_loop(0, D // LANES, unroll=8)
            def _vec(c):
                sl = pl.ds(c * LANES, LANES)
                buf[b, r, sl] = buf[b, r, sl] * SCALE

    for b in range(LEAD):
        gather_desc(b, b).start()

    @pl.loop(0, N_MAIN, step=NBUF)
    def _outer(c0):
        for b in range(NBUF):
            g = c0 + b
            gather_desc(g, b).wait()
            scale_buf(b)
            store_desc(g, b).start()

            bq = (b + LEAD) % NBUF

            @pl.when(g >= K)
            def _():
                store_desc(g - K, bq).wait()

            @pl.when(g + LEAD < N_CHUNKS)
            def _():
                gather_desc(g + LEAD, bq).start()

    for g in range(N_MAIN, N_CHUNKS):
        b = g % NBUF
        gather_desc(g, b).wait()
        scale_buf(b)
        store_desc(g, b).start()
        store_desc(g - K, (g - K) % NBUF).wait()

    for gg in range(N_CHUNKS - K, N_CHUNKS):
        store_desc(gg, gg % NBUF).wait()


def kernel(x, table):
    idx = x.reshape(-1).astype(jnp.int32)
    out = _embed_sc(idx, table)
    return out.reshape(x.shape[0], x.shape[1], D)

# --- scband reference (transcript-rebuilt; emitter-appended) ---
"""Pipeline reference for scband-token-embedding-26998164423410 (READ-ONLY COPY).

The authoritative reference and input builder live on the scoring server;
editing this copy changes nothing except your own understanding.
"""

import jax, jax.numpy as jnp
import numpy as np
import math

VOCAB_SIZE = 100000
D_MODEL = 2048
BATCH = 4
SEQ_LEN = 4096

def setup_inputs(seed: int = 0) -> dict:
    key = jax.random.key(seed)
    k_idx, k_tab = jax.random.split(key)
    x = jax.random.randint(k_idx, (BATCH, SEQ_LEN), 0, VOCAB_SIZE, dtype=jnp.int64 if jax.config.jax_enable_x64 else jnp.int32)
    table = jax.random.normal(k_tab, (VOCAB_SIZE, D_MODEL), dtype=jnp.float32)
    return {"x": x, "table": table}

def reference(x, table):
    # Faithful translation of TokenEmbedding.forward:
    # embedding lookup followed by sqrt(d_model) scaling.
    embedded = jnp.take(table, x, axis=0)
    return embedded * math.sqrt(D_MODEL)

if __name__ == "__main__":
    import jax
    _d = setup_inputs()
    print(jax.jit(kernel)(*tuple(_d.values())))

</pallas_src>

<mosaic_0001>
#map = affine_map<(d0, d1) -> (0)>
#map1 = affine_map<(d0, d1) -> (0, 0)>
module attributes {stable_mosaic.version = 14 : i64} {
  func.func @_embed_sc(%arg0: i32, %arg1: i32, %arg2: memref<16384xi32, #tpu.memory_space<hbm>>, %arg3: memref<100000x2048xf32, #tpu.memory_space<hbm>>, %arg4: memref<16384x2048xf32, #tpu.memory_space<hbm>>, %arg5: memref<512xi32, #tpu.memory_space<vmem>>, %arg6: memref<6x8x2048xf32, #tpu.memory_space<vmem>>, %arg7: memref<!tpu.dma_semaphore, #tpu.memory_space<semaphore_mem>>, %arg8: memref<!tpu.dma_semaphore, #tpu.memory_space<semaphore_mem>>, %arg9: memref<!tpu.dma_semaphore, #tpu.memory_space<semaphore_mem>>, %arg10: memref<!tpu.dma_semaphore, #tpu.memory_space<semaphore_mem>>, %arg11: memref<!tpu.dma_semaphore, #tpu.memory_space<semaphore_mem>>, %arg12: memref<!tpu.dma_semaphore, #tpu.memory_space<semaphore_mem>>, %arg13: memref<!tpu.dma_semaphore, #tpu.memory_space<semaphore_mem>>, %arg14: memref<!tpu.dma_semaphore, #tpu.memory_space<semaphore_mem>>, %arg15: memref<!tpu.dma_semaphore, #tpu.memory_space<semaphore_mem>>, %arg16: memref<!tpu.dma_semaphore, #tpu.memory_space<semaphore_mem>>, %arg17: memref<!tpu.dma_semaphore, #tpu.memory_space<semaphore_mem>>, %arg18: memref<!tpu.dma_semaphore, #tpu.memory_space<semaphore_mem>>) attributes {dimension_semantics = [#tpu.dimension_semantics<core_parallel>, #tpu.dimension_semantics<subcore_parallel>], iteration_bounds = array<i64: 2, 16>, scalar_prefetch = 0 : i64, scratch_operands = 14 : i64, tpu.core_type = #tpu.core_type<sc_vector_subcore>, window_params = [{transform_indices = #map}, {transform_indices = #map1}, {transform_indices = #map1}]} {
    %mul3A = arith.constant 2 : i32
    %mul3A_0 = arith.muli %arg1, %mul3A : i32
    %add3A = arith.addi %mul3A_0, %arg0 : i32
    %mul3A_1 = arith.constant 512 : i32
    %mul3A_2 = arith.muli %add3A, %mul3A_1 : i32
    "tpu.region"() ({
      %run_scoped3A = tpu.sem_alloc : memref<!tpu.dma_semaphore, #tpu.memory_space<semaphore_mem>>
      %dma_start3A_255 = tpu.memref_slice %arg2[%mul3A_2] : memref<16384xi32, #tpu.memory_space<hbm>> -> memref<512xi32, #tpu.memory_space<hbm>>
      %dma_start3A_256 = tpu.memref_slice %arg2[%mul3A_2] : memref<16384xi32, #tpu.memory_space<hbm>> -> memref<512xi32, #tpu.memory_space<hbm>>
      tpu.enqueue_dma source(%dma_start3A_256 : memref<512xi32, #tpu.memory_space<hbm>>) target(%arg5 : memref<512xi32, #tpu.memory_space<vmem>>) target_semaphore(%run_scoped3A : memref<!tpu.dma_semaphore, #tpu.memory_space<semaphore_mem>>)
      %dma_wait3A_257 = tpu.memref_slice %arg2[%mul3A_2] : memref<16384xi32, #tpu.memory_space<hbm>> -> memref<512xi32, #tpu.memory_space<hbm>>
      %dma_wait3A_258 = tpu.memref_slice %arg2[%mul3A_2] : memref<16384xi32, #tpu.memory_space<hbm>> -> memref<512xi32, #tpu.memory_space<hbm>>
      tpu.wait_dma2 semaphore(%run_scoped3A : memref<!tpu.dma_semaphore, #tpu.memory_space<semaphore_mem>>) src(%dma_wait3A_258 : memref<512xi32, #tpu.memory_space<hbm>>) dst(%arg5 : memref<512xi32, #tpu.memory_space<vmem>>)
      tpu.yield
    }) : () -> ()
    %dma_start3A = arith.constant 0 : i32
    %dma_start3A_3 = arith.constant 0 : i32
    %dma_start3A_4 = arith.constant 0 : i32
    %dma_start3A_5 = tpu.memref_slice %arg6[%dma_start3A, %dma_start3A_3, %dma_start3A_4] : memref<6x8x2048xf32, #tpu.memory_space<vmem>> -> memref<1x8x2048xf32, #tpu.memory_space<vmem>>
    %dma_start3A_6 = tpu.memref_squeeze %dma_start3A_5 : memref<1x8x2048xf32, #tpu.memory_space<vmem>> -> memref<8x2048xf32, #tpu.memory_space<vmem>>
    %dma_start3A_7 = arith.constant 0 : i32
    %dma_start3A_8 = tpu.memref_slice %arg5[%dma_start3A_7] : memref<512xi32, #tpu.memory_space<vmem>> -> memref<8xi32, #tpu.memory_space<vmem>>
    %dma_start3A_9 = arith.constant 0 : i32
    %dma_start3A_10 = arith.constant 0 : i32
    %dma_start3A_11 = tpu.memref_slice %arg3[%dma_start3A_9, %dma_start3A_10] : memref<100000x2048xf32, #tpu.memory_space<hbm>> -> memref<100000x2048xf32, #tpu.memory_space<hbm>>
    tpu.enqueue_indirect_dma source(%dma_start3A_11 : memref<100000x2048xf32, #tpu.memory_space<hbm>>) target(%dma_start3A_6 : memref<8x2048xf32, #tpu.memory_space<vmem>>) offsets(%dma_start3A_8 : memref<8xi32, #tpu.memory_space<vmem>>) semaphore(%arg7 : memref<!tpu.dma_semaphore, #tpu.memory_space<semaphore_mem>>)
    %dma_start3A_12 = arith.constant 1 : i32
    %dma_start3A_13 = arith.constant 0 : i32
    %dma_start3A_14 = arith.constant 0 : i32
    %dma_start3A_15 = tpu.memref_slice %arg6[%dma_start3A_12, %dma_start3A_13, %dma_start3A_14] : memref<6x8x2048xf32, #tpu.memory_space<vmem>> -> memref<1x8x2048xf32, #tpu.memory_space<vmem>>
    %dma_start3A_16 = tpu.memref_squeeze %dma_start3A_15 : memref<1x8x2048xf32, #tpu.memory_space<vmem>> -> memref<8x2048xf32, #tpu.memory_space<vmem>>
    %dma_start3A_17 = arith.constant 8 : i32
    %dma_start3A_18 = tpu.memref_slice %arg5[%dma_start3A_17] : memref<512xi32, #tpu.memory_space<vmem>> -> memref<8xi32, #tpu.memory_space<vmem>>
    %dma_start3A_19 = arith.constant 0 : i32
    %dma_start3A_20 = arith.constant 0 : i32
    %dma_start3A_21 = tpu.memref_slice %arg3[%dma_start3A_19, %dma_start3A_20] : memref<100000x2048xf32, #tpu.memory_space<hbm>> -> memref<100000x2048xf32, #tpu.memory_space<hbm>>
    tpu.enqueue_indirect_dma source(%dma_start3A_21 : memref<100000x2048xf32, #tpu.memory_space<hbm>>) target(%dma_start3A_16 : memref<8x2048xf32, #tpu.memory_space<vmem>>) offsets(%dma_start3A_18 : memref<8xi32, #tpu.memory_space<vmem>>) semaphore(%arg8 : memref<!tpu.dma_semaphore, #tpu.memory_space<semaphore_mem>>)
    %dma_start3A_22 = arith.constant 2 : i32
    %dma_start3A_23 = arith.constant 0 : i32
    %dma_start3A_24 = arith.constant 0 : i32
    %dma_start3A_25 = tpu.memref_slice %arg6[%dma_start3A_22, %dma_start3A_23, %dma_start3A_24] : memref<6x8x2048xf32, #tpu.memory_space<vmem>> -> memref<1x8x2048xf32, #tpu.memory_space<vmem>>
    %dma_start3A_26 = tpu.memref_squeeze %dma_start3A_25 : memref<1x8x2048xf32, #tpu.memory_space<vmem>> -> memref<8x2048xf32, #tpu.memory_space<vmem>>
    %dma_start3A_27 = arith.constant 16 : i32
    %dma_start3A_28 = tpu.memref_slice %arg5[%dma_start3A_27] : memref<512xi32, #tpu.memory_space<vmem>> -> memref<8xi32, #tpu.memory_space<vmem>>
    %dma_start3A_29 = arith.constant 0 : i32
    %dma_start3A_30 = arith.constant 0 : i32
    %dma_start3A_31 = tpu.memref_slice %arg3[%dma_start3A_29, %dma_start3A_30] : memref<100000x2048xf32, #tpu.memory_space<hbm>> -> memref<100000x2048xf32, #tpu.memory_space<hbm>>
    tpu.enqueue_indirect_dma source(%dma_start3A_31 : memref<100000x2048xf32, #tpu.memory_space<hbm>>) target(%dma_start3A_26 : memref<8x2048xf32, #tpu.memory_space<vmem>>) offsets(%dma_start3A_28 : memref<8xi32, #tpu.memory_space<vmem>>) semaphore(%arg9 : memref<!tpu.dma_semaphore, #tpu.memory_space<semaphore_mem>>)
    %dma_start3A_32 = arith.constant 3 : i32
    %dma_start3A_33 = arith.constant 0 : i32
    %dma_start3A_34 = arith.constant 0 : i32
    %dma_start3A_35 = tpu.memref_slice %arg6[%dma_start3A_32, %dma_start3A_33, %dma_start3A_34] : memref<6x8x2048xf32, #tpu.memory_space<vmem>> -> memref<1x8x2048xf32, #tpu.memory_space<vmem>>
    %dma_start3A_36 = tpu.memref_squeeze %dma_start3A_35 : memref<1x8x2048xf32, #tpu.memory_space<vmem>> -> memref<8x2048xf32, #tpu.memory_space<vmem>>
    %dma_start3A_37 = arith.constant 24 : i32
    %dma_start3A_38 = tpu.memref_slice %arg5[%dma_start3A_37] : memref<512xi32, #tpu.memory_space<vmem>> -> memref<8xi32, #tpu.memory_space<vmem>>
    %dma_start3A_39 = arith.constant 0 : i32
    %dma_start3A_40 = arith.constant 0 : i32
    %dma_start3A_41 = tpu.memref_slice %arg3[%dma_start3A_39, %dma_start3A_40] : memref<100000x2048xf32, #tpu.memory_space<hbm>> -> memref<100000x2048xf32, #tpu.memory_space<hbm>>
    tpu.enqueue_indirect_dma source(%dma_start3A_41 : memref<100000x2048xf32, #tpu.memory_space<hbm>>) target(%dma_start3A_36 : memref<8x2048xf32, #tpu.memory_space<vmem>>) offsets(%dma_start3A_38 : memref<8xi32, #tpu.memory_space<vmem>>) semaphore(%arg10 : memref<!tpu.dma_semaphore, #tpu.memory_space<semaphore_mem>>)
    %scan3A = arith.constant 0 : i32
    %scan3A_42 = arith.constant 10 : i32
    %scan3A_43 = arith.addi %scan3A, %scan3A_42 : i32
    %scan3A_44 = arith.constant 1 : i32
    scf.for %scan3A_255 = %scan3A to %scan3A_43 step %scan3A_44  : i32 {
      %mul3A_256 = arith.constant 6 : i32
      %mul3A_257 = arith.muli %scan3A_255, %mul3A_256 : i32
      %add3A_258 = arith.constant 0 : i32
      %add3A_259 = arith.addi %add3A_258, %mul3A_257 : i32
      %add3A_260 = arith.constant 0 : i32
      %add3A_261 = arith.addi %add3A_259, %add3A_260 : i32
      %mul3A_262 = arith.constant 8 : i32
      %mul3A_263 = arith.muli %add3A_261, %mul3A_262 : i32
      %dma_wait3A_264 = arith.constant 0 : i32
      %dma_wait3A_265 = arith.constant 0 : i32
      %dma_wait3A_266 = arith.constant 0 : i32
      %dma_wait3A_267 = tpu.memref_slice %arg6[%dma_wait3A_264, %dma_wait3A_265, %dma_wait3A_266] : memref<6x8x2048xf32, #tpu.memory_space<vmem>> -> memref<1x8x2048xf32, #tpu.memory_space<vmem>>
      %dma_wait3A_268 = tpu.memref_squeeze %dma_wait3A_267 : memref<1x8x2048xf32, #tpu.memory_space<vmem>> -> memref<8x2048xf32, #tpu.memory_space<vmem>>
      %dma_wait3A_269 = tpu.memref_slice %arg5[%mul3A_263] : memref<512xi32, #tpu.memory_space<vmem>> -> memref<8xi32, #tpu.memory_space<vmem>>
      %dma_wait3A_270 = arith.constant 0 : i32
      %dma_wait3A_271 = arith.constant 0 : i32
      %dma_wait3A_272 = tpu.memref_slice %arg3[%dma_wait3A_270, %dma_wait3A_271] : memref<100000x2048xf32, #tpu.memory_space<hbm>> -> memref<100000x2048xf32, #tpu.memory_space<hbm>>
      tpu.wait_indirect_dma semaphore(%arg7 : memref<!tpu.dma_semaphore, #tpu.memory_space<semaphore_mem>>) src(%dma_wait3A_272 : memref<100000x2048xf32, #tpu.memory_space<hbm>>) dst(%dma_wait3A_268 : memref<8x2048xf32, #tpu.memory_space<vmem>>)
      %scan3A_273 = arith.constant 0 : i32
      %scan3A_274 = arith.constant 8 : i32
      %scan3A_275 = arith.addi %scan3A_273, %scan3A_274 : i32
      %scan3A_276 = arith.constant 1 : i32
      scf.for %scan3A_532 = %scan3A_273 to %scan3A_275 step %scan3A_276  : i32 {
        %mul3A_533 = arith.constant 1 : i32
        %mul3A_534 = arith.muli %scan3A_532, %mul3A_533 : i32
        %add3A_535 = arith.constant 0 : i32
        %add3A_536 = arith.addi %add3A_535, %mul3A_534 : i32
        %parallel_loop3A = arith.constant 0 : i32
        %parallel_loop3A_537 = arith.constant 128 : i32
        %parallel_loop3A_538 = arith.constant 1 : i32
        scf.for %parallel_loop3A_539 = %parallel_loop3A to %parallel_loop3A_537 step %parallel_loop3A_538  : i32 {
          %parallel_loop3A_540 = arith.constant 16 : i32
          %parallel_loop3A_541 = arith.muli %parallel_loop3A_539, %parallel_loop3A_540 : i32
          %parallel_loop3A_542 = arith.constant 0 : i32
          %parallel_loop3A_543 = arith.index_cast %parallel_loop3A_542 : i32 to index
          %parallel_loop3A_544 = arith.index_cast %add3A_536 : i32 to index
          %parallel_loop3A_545 = arith.index_cast %parallel_loop3A_541 : i32 to index
          %parallel_loop3A_546 = tpu.vector_load %arg6[%parallel_loop3A_543, %parallel_loop3A_544, %parallel_loop3A_545] {strides = array<i32>} : memref<6x8x2048xf32, #tpu.memory_space<vmem>>, vector<1x1x16xf32>,
          %parallel_loop3A_547 = vector.shape_cast %parallel_loop3A_546 : vector<1x1x16xf32> to vector<16xf32>
          %parallel_loop3A_548 = arith.constant 45.2548332 : f32
          %parallel_loop3A_549 = vector.broadcast %parallel_loop3A_548 : f32 to vector<16xf32>
          %parallel_loop3A_550 = arith.mulf %parallel_loop3A_547, %parallel_loop3A_549 : vector<16xf32>
          %parallel_loop3A_551 = arith.constant 0 : i32
          %parallel_loop3A_552 = arith.index_cast %parallel_loop3A_551 : i32 to index
          %parallel_loop3A_553 = arith.index_cast %add3A_536 : i32 to index
          %parallel_loop3A_554 = arith.index_cast %parallel_loop3A_541 : i32 to index
          %parallel_loop3A_555 = tpu.vector_load %arg6[%parallel_loop3A_552, %parallel_loop3A_553, %parallel_loop3A_554] {strides = array<i32>} : memref<6x8x2048xf32, #tpu.memory_space<vmem>>, vector<1x1x16xf32>,
          %parallel_loop3A_556 = vector.shape_cast %parallel_loop3A_555 : vector<1x1x16xf32> to vector<16xf32>
          %parallel_loop3A_557 = vector.shape_cast %parallel_loop3A_550 : vector<16xf32> to vector<1x1x16xf32>
          tpu.vector_store %arg6[%parallel_loop3A_552, %parallel_loop3A_553, %parallel_loop3A_554], %parallel_loop3A_557 {strides = array<i32>} : memref<6x8x2048xf32, #tpu.memory_space<vmem>>, vector<1x1x16xf32>,
        } {sc.loop_unroll_factor = 8 : i64, sc.parallel_access}
      }
      %scan3A_277 = arith.constant 8 : i32
      %mul3A_278 = arith.constant 8 : i32
      %mul3A_279 = arith.muli %add3A_261, %mul3A_278 : i32
      %add3A_280 = arith.addi %mul3A_2, %mul3A_279 : i32
      %dma_start3A_281 = arith.constant 0 : i32
      %dma_start3A_282 = arith.constant 0 : i32
      %dma_start3A_283 = arith.constant 0 : i32
      %dma_start3A_284 = tpu.memref_slice %arg6[%dma_start3A_281, %dma_start3A_282, %dma_start3A_283] : memref<6x8x2048xf32, #tpu.memory_space<vmem>> -> memref<1x8x2048xf32, #tpu.memory_space<vmem>>
      %dma_start3A_285 = tpu.memref_squeeze %dma_start3A_284 : memref<1x8x2048xf32, #tpu.memory_space<vmem>> -> memref<8x2048xf32, #tpu.memory_space<vmem>>
      %dma_start3A_286 = arith.constant 0 : i32
      %dma_start3A_287 = tpu.memref_slice %arg4[%add3A_280, %dma_start3A_286] : memref<16384x2048xf32, #tpu.memory_space<hbm>> -> memref<8x2048xf32, #tpu.memory_space<hbm>>
      %dma_start3A_288 = arith.constant 0 : i32
      %dma_start3A_289 = tpu.memref_slice %arg4[%add3A_280, %dma_start3A_288] : memref<16384x2048xf32, #tpu.memory_space<hbm>> -> memref<8x2048xf32, #tpu.memory_space<hbm>>
      %dma_start3A_290 = arith.constant 0 : i32
      %dma_start3A_291 = arith.constant 0 : i32
      %dma_start3A_292 = tpu.memref_slice %arg6[%dma_start3A_281, %dma_start3A_290, %dma_start3A_291] : memref<6x8x2048xf32, #tpu.memory_space<vmem>> -> memref<1x8x2048xf32, #tpu.memory_space<vmem>>
      %dma_start3A_293 = tpu.memref_squeeze %dma_start3A_292 : memref<1x8x2048xf32, #tpu.memory_space<vmem>> -> memref<8x2048xf32, #tpu.memory_space<vmem>>
      tpu.enqueue_dma source(%dma_start3A_293 : memref<8x2048xf32, #tpu.memory_space<vmem>>) target(%dma_start3A_289 : memref<8x2048xf32, #tpu.memory_space<hbm>>) target_semaphore(%arg13 : memref<!tpu.dma_semaphore, #tpu.memory_space<semaphore_mem>>)
      %ge3A = arith.constant 2 : i32
      %ge3A_294 = arith.cmpi sge, %add3A_261, %ge3A : i32
      %convert_element_type3A = arith.extui %ge3A_294 : i1 to i32
      %cond3A = arith.constant 0 : i32
      %cond3A_295 = arith.cmpi ne, %convert_element_type3A, %cond3A : i32
      scf.if %cond3A_295 {
        %sub3A = arith.constant 2 : i32
        %sub3A_532 = arith.subi %add3A_261, %sub3A : i32
        %mul3A_533 = arith.constant 8 : i32
        %mul3A_534 = arith.muli %sub3A_532, %mul3A_533 : i32
        %add3A_535 = arith.addi %mul3A_2, %mul3A_534 : i32
        %dma_wait3A_536 = arith.constant 4 : i32
        %dma_wait3A_537 = arith.constant 0 : i32
        %dma_wait3A_538 = arith.constant 0 : i32
        %dma_wait3A_539 = tpu.memref_slice %arg6[%dma_wait3A_536, %dma_wait3A_537, %dma_wait3A_538] : memref<6x8x2048xf32, #tpu.memory_space<vmem>> -> memref<1x8x2048xf32, #tpu.memory_space<vmem>>
        %dma_wait3A_540 = tpu.memref_squeeze %dma_wait3A_539 : memref<1x8x2048xf32, #tpu.memory_space<vmem>> -> memref<8x2048xf32, #tpu.memory_space<vmem>>
        %dma_wait3A_541 = arith.constant 0 : i32
        %dma_wait3A_542 = tpu.memref_slice %arg4[%add3A_535, %dma_wait3A_541] : memref<16384x2048xf32, #tpu.memory_space<hbm>> -> memref<8x2048xf32, #tpu.memory_space<hbm>>
        %dma_wait3A_543 = arith.constant 0 : i32
        %dma_wait3A_544 = tpu.memref_slice %arg4[%add3A_535, %dma_wait3A_543] : memref<16384x2048xf32, #tpu.memory_space<hbm>> -> memref<8x2048xf32, #tpu.memory_space<hbm>>
        %dma_wait3A_545 = arith.constant 0 : i32
        %dma_wait3A_546 = arith.constant 0 : i32
        %dma_wait3A_547 = tpu.memref_slice %arg6[%dma_wait3A_536, %dma_wait3A_545, %dma_wait3A_546] : memref<6x8x2048xf32, #tpu.memory_space<vmem>> -> memref<1x8x2048xf32, #tpu.memory_space<vmem>>
        %dma_wait3A_548 = tpu.memref_squeeze %dma_wait3A_547 : memref<1x8x2048xf32, #tpu.memory_space<vmem>> -> memref<8x2048xf32, #tpu.memory_space<vmem>>
        tpu.wait_dma2 semaphore(%arg17 : memref<!tpu.dma_semaphore, #tpu.memory_space<semaphore_mem>>) src(%dma_wait3A_548 : memref<8x2048xf32, #tpu.memory_space<vmem>>) dst(%dma_wait3A_544 : memref<8x2048xf32, #tpu.memory_space<hbm>>)
      } else {
      }
      %add3A_296 = arith.constant 4 : i32
      %add3A_297 = arith.addi %add3A_261, %add3A_296 : i32
      %lt3A = arith.constant 64 : i32
      %lt3A_298 = arith.cmpi slt, %add3A_297, %lt3A : i32
      %convert_element_type3A_299 = arith.extui %lt3A_298 : i1 to i32
      %cond3A_300 = arith.constant 0 : i32
      %cond3A_301 = arith.cmpi ne, %convert_element_type3A_299, %cond3A_300 : i32
      scf.if %cond3A_301 {
        %add3A_532 = arith.constant 4 : i32
        %add3A_533 = arith.addi %add3A_261, %add3A_532 : i32
        %mul3A_534 = arith.constant 8 : i32
        %mul3A_535 = arith.muli %add3A_533, %mul3A_534 : i32
        %dma_start3A_536 = arith.constant 4 : i32
        %dma_start3A_537 = arith.constant 0 : i32
        %dma_start3A_538 = arith.constant 0 : i32
        %dma_start3A_539 = tpu.memref_slice %arg6[%dma_start3A_536, %dma_start3A_537, %dma_start3A_538] : memref<6x8x2048xf32, #tpu.memory_space<vmem>> -> memref<1x8x2048xf32, #tpu.memory_space<vmem>>
        %dma_start3A_540 = tpu.memref_squeeze %dma_start3A_539 : memref<1x8x2048xf32, #tpu.memory_space<vmem>> -> memref<8x2048xf32, #tpu.memory_space<vmem>>
        %dma_start3A_541 = tpu.memref_slice %arg5[%mul3A_535] : memref<512xi32, #tpu.memory_space<vmem>> -> memref<8xi32, #tpu.memory_space<vmem>>
        %dma_start3A_542 = arith.constant 0 : i32
        %dma_start3A_543 = arith.constant 0 : i32
        %dma_start3A_544 = tpu.memref_slice %arg3[%dma_start3A_542, %dma_start3A_543] : memref<100000x2048xf32, #tpu.memory_space<hbm>> -> memref<100000x2048xf32, #tpu.memory_space<hbm>>
        tpu.enqueue_indirect_dma source(%dma_start3A_544 : memref<100000x2048xf32, #tpu.memory_space<hbm>>) target(%dma_start3A_540 : memref<8x2048xf32, #tpu.memory_space<vmem>>) offsets(%dma_start3A_541 : memref<8xi32, #tpu.memory_space<vmem>>) semaphore(%arg11 : memref<!tpu.dma_semaphore, #tpu.memory_space<semaphore_mem>>)
      } else {
      }
      %add3A_302 = arith.constant 1 : i32
      %add3A_303 = arith.addi %add3A_259, %add3A_302 : i32
      %mul3A_304 = arith.constant 8 : i32
      %mul3A_305 = arith.muli %add3A_303, %mul3A_304 : i32
      %dma_wait3A_306 = arith.constant 1 : i32
      %dma_wait3A_307 = arith.constant 0 : i32
      %dma_wait3A_308 = arith.constant 0 : i32
      %dma_wait3A_309 = tpu.memref_slice %arg6[%dma_wait3A_306, %dma_wait3A_307, %dma_wait3A_308] : memref<6x8x2048xf32, #tpu.memory_space<vmem>> -> memref<1x8x2048xf32, #tpu.memory_space<vmem>>
      %dma_wait3A_310 = tpu.memref_squeeze %dma_wait3A_309 : memref<1x8x2048xf32, #tpu.memory_space<vmem>> -> memref<8x2048xf32, #tpu.memory_space<vmem>>
      %dma_wait3A_311 = tpu.memref_slice %arg5[%mul3A_305] : memref<512xi32, #tpu.memory_space<vmem>> -> memref<8xi32, #tpu.memory_space<vmem>>
      %dma_wait3A_312 = arith.constant 0 : i32
      %dma_wait3A_313 = arith.constant 0 : i32
      %dma_wait3A_314 = tpu.memref_slice %arg3[%dma_wait3A_312, %dma_wait3A_313] : memref<100000x2048xf32, #tpu.memory_space<hbm>> -> memref<100000x2048xf32, #tpu.memory_space<hbm>>
      tpu.wait_indirect_dma semaphore(%arg8 : memref<!tpu.dma_semaphore, #tpu.memory_space<semaphore_mem>>) src(%dma_wait3A_314 : memref<100000x2048xf32, #tpu.memory_space<hbm>>) dst(%dma_wait3A_310 : memref<8x2048xf32, #tpu.memory_space<vmem>>)
      %scan3A_315 = arith.constant 0 : i32
      %scan3A_316 = arith.constant 8 : i32
      %scan3A_317 = arith.addi %scan3A_315, %scan3A_316 : i32
      %scan3A_318 = arith.constant 1 : i32
      scf.for %scan3A_532 = %scan3A_315 to %scan3A_317 step %scan3A_318  : i32 {
        %mul3A_533 = arith.constant 1 : i32
        %mul3A_534 = arith.muli %scan3A_532, %mul3A_533 : i32
        %add3A_535 = arith.constant 0 : i32
        %add3A_536 = arith.addi %add3A_535, %mul3A_534 : i32
        %parallel_loop3A = arith.constant 0 : i32
        %parallel_loop3A_537 = arith.constant 128 : i32
        %parallel_loop3A_538 = arith.constant 1 : i32
        scf.for %parallel_loop3A_539 = %parallel_loop3A to %parallel_loop3A_537 step %parallel_loop3A_538  : i32 {
          %parallel_loop3A_540 = arith.constant 16 : i32
          %parallel_loop3A_541 = arith.muli %parallel_loop3A_539, %parallel_loop3A_540 : i32
          %parallel_loop3A_542 = arith.constant 1 : i32
          %parallel_loop3A_543 = arith.index_cast %parallel_loop3A_542 : i32 to index
          %parallel_loop3A_544 = arith.index_cast %add3A_536 : i32 to index
          %parallel_loop3A_545 = arith.index_cast %parallel_loop3A_541 : i32 to index
          %parallel_loop3A_546 = tpu.vector_load %arg6[%parallel_loop3A_543, %parallel_loop3A_544, %parallel_loop3A_545] {strides = array<i32>} : memref<6x8x2048xf32, #tpu.memory_space<vmem>>, vector<1x1x16xf32>,
          %parallel_loop3A_547 = vector.shape_cast %parallel_loop3A_546 : vector<1x1x16xf32> to vector<16xf32>
          %parallel_loop3A_548 = arith.constant 45.2548332 : f32
          %parallel_loop3A_549 = vector.broadcast %parallel_loop3A_548 : f32 to vector<16xf32>
          %parallel_loop3A_550 = arith.mulf %parallel_loop3A_547, %parallel_loop3A_549 : vector<16xf32>
          %parallel_loop3A_551 = arith.constant 1 : i32
          %parallel_loop3A_552 = arith.index_cast %parallel_loop3A_551 : i32 to index
          %parallel_loop3A_553 = arith.index_cast %add3A_536 : i32 to index
          %parallel_loop3A_554 = arith.index_cast %parallel_loop3A_541 : i32 to index
          %parallel_loop3A_555 = tpu.vector_load %arg6[%parallel_loop3A_552, %parallel_loop3A_553, %parallel_loop3A_554] {strides = array<i32>} : memref<6x8x2048xf32, #tpu.memory_space<vmem>>, vector<1x1x16xf32>,
          %parallel_loop3A_556 = vector.shape_cast %parallel_loop3A_555 : vector<1x1x16xf32> to vector<16xf32>
          %parallel_loop3A_557 = vector.shape_cast %parallel_loop3A_550 : vector<16xf32> to vector<1x1x16xf32>
          tpu.vector_store %arg6[%parallel_loop3A_552, %parallel_loop3A_553, %parallel_loop3A_554], %parallel_loop3A_557 {strides = array<i32>} : memref<6x8x2048xf32, #tpu.memory_space<vmem>>, vector<1x1x16xf32>,
        } {sc.loop_unroll_factor = 8 : i64, sc.parallel_access}
      }
      %scan3A_319 = arith.constant 8 : i32
      %mul3A_320 = arith.constant 8 : i32
      %mul3A_321 = arith.muli %add3A_303, %mul3A_320 : i32
      %add3A_322 = arith.addi %mul3A_2, %mul3A_321 : i32
      %dma_start3A_323 = arith.constant 1 : i32
      %dma_start3A_324 = arith.constant 0 : i32
      %dma_start3A_325 = arith.constant 0 : i32
      %dma_start3A_326 = tpu.memref_slice %arg6[%dma_start3A_323, %dma_start3A_324, %dma_start3A_325] : memref<6x8x2048xf32, #tpu.memory_space<vmem>> -> memref<1x8x2048xf32, #tpu.memory_space<vmem>>
      %dma_start3A_327 = tpu.memref_squeeze %dma_start3A_326 : memref<1x8x2048xf32, #tpu.memory_space<vmem>> -> memref<8x2048xf32, #tpu.memory_space<vmem>>
      %dma_start3A_328 = arith.constant 0 : i32
      %dma_start3A_329 = tpu.memref_slice %arg4[%add3A_322, %dma_start3A_328] : memref<16384x2048xf32, #tpu.memory_space<hbm>> -> memref<8x2048xf32, #tpu.memory_space<hbm>>
      %dma_start3A_330 = arith.constant 0 : i32
      %dma_start3A_331 = tpu.memref_slice %arg4[%add3A_322, %dma_start3A_330] : memref<16384x2048xf32, #tpu.memory_space<hbm>> -> memref<8x2048xf32, #tpu.memory_space<hbm>>
      %dma_start3A_332 = arith.constant 0 : i32
      %dma_start3A_333 = arith.constant 0 : i32
      %dma_start3A_334 = tpu.memref_slice %arg6[%dma_start3A_323, %dma_start3A_332, %dma_start3A_333] : memref<6x8x2048xf32, #tpu.memory_space<vmem>> -> memref<1x8x2048xf32, #tpu.memory_space<vmem>>
      %dma_start3A_335 = tpu.memref_squeeze %dma_start3A_334 : memref<1x8x2048xf32, #tpu.memory_space<vmem>> -> memref<8x2048xf32, #tpu.memory_space<vmem>>
      tpu.enqueue_dma source(%dma_start3A_335 : memref<8x2048xf32, #tpu.memory_space<vmem>>) target(%dma_start3A_331 : memref<8x2048xf32, #tpu.memory_space<hbm>>) target_semaphore(%arg14 : memref<!tpu.dma_semaphore, #tpu.memory_space<semaphore_mem>>)
      %ge3A_336 = arith.constant 2 : i32
      %ge3A_337 = arith.cmpi sge, %add3A_303, %ge3A_336 : i32
      %convert_element_type3A_338 = arith.extui %ge3A_337 : i1 to i32
      %cond3A_339 = arith.constant 0 : i32
      %cond3A_340 = arith.cmpi ne, %convert_element_type3A_338, %cond3A_339 : i32
      scf.if %cond3A_340 {
        %sub3A = arith.constant 2 : i32
        %sub3A_532 = arith.subi %add3A_303, %sub3A : i32
        %mul3A_533 = arith.constant 8 : i32
        %mul3A_534 = arith.muli %sub3A_532, %mul3A_533 : i32
        %add3A_535 = arith.addi %mul3A_2, %mul3A_534 : i32
        %dma_wait3A_536 = arith.constant 5 : i32
        %dma_wait3A_537 = arith.constant 0 : i32
        %dma_wait3A_538 = arith.constant 0 : i32
        %dma_wait3A_539 = tpu.memref_slice %arg6[%dma_wait3A_536, %dma_wait3A_537, %dma_wait3A_538] : memref<6x8x2048xf32, #tpu.memory_space<vmem>> -> memref<1x8x2048xf32, #tpu.memory_space<vmem>>
        %dma_wait3A_540 = tpu.memref_squeeze %dma_wait3A_539 : memref<1x8x2048xf32, #tpu.memory_space<vmem>> -> memref<8x2048xf32, #tpu.memory_space<vmem>>
        %dma_wait3A_541 = arith.constant 0 : i32
        %dma_wait3A_542 = tpu.memref_slice %arg4[%add3A_535, %dma_wait3A_541] : memref<16384x2048xf32, #tpu.memory_space<hbm>> -> memref<8x2048xf32, #tpu.memory_space<hbm>>
        %dma_wait3A_543 = arith.constant 0 : i32
        %dma_wait3A_544 = tpu.memref_slice %arg4[%add3A_535, %dma_wait3A_543] : memref<16384x2048xf32, #tpu.memory_space<hbm>> -> memref<8x2048xf32, #tpu.memory_space<hbm>>
        %dma_wait3A_545 = arith.constant 0 : i32
        %dma_wait3A_546 = arith.constant 0 : i32
        %dma_wait3A_547 = tpu.memref_slice %arg6[%dma_wait3A_536, %dma_wait3A_545, %dma_wait3A_546] : memref<6x8x2048xf32, #tpu.memory_space<vmem>> -> memref<1x8x2048xf32, #tpu.memory_space<vmem>>
        %dma_wait3A_548 = tpu.memref_squeeze %dma_wait3A_547 : memref<1x8x2048xf32, #tpu.memory_space<vmem>> -> memref<8x2048xf32, #tpu.memory_space<vmem>>
        tpu.wait_dma2 semaphore(%arg18 : memref<!tpu.dma_semaphore, #tpu.memory_space<semaphore_mem>>) src(%dma_wait3A_548 : memref<8x2048xf32, #tpu.memory_space<vmem>>) dst(%dma_wait3A_544 : memref<8x2048xf32, #tpu.memory_space<hbm>>)
      } else {
      }
      %add3A_341 = arith.constant 4 : i32
      %add3A_342 = arith.addi %add3A_303, %add3A_341 : i32
      %lt3A_343 = arith.constant 64 : i32
      %lt3A_344 = arith.cmpi slt, %add3A_342, %lt3A_343 : i32
      %convert_element_type3A_345 = arith.extui %lt3A_344 : i1 to i32
      %cond3A_346 = arith.constant 0 : i32
      %cond3A_347 = arith.cmpi ne, %convert_element_type3A_345, %cond3A_346 : i32
      scf.if %cond3A_347 {
        %add3A_532 = arith.constant 4 : i32
        %add3A_533 = arith.addi %add3A_303, %add3A_532 : i32
        %mul3A_534 = arith.constant 8 : i32
        %mul3A_535 = arith.muli %add3A_533, %mul3A_534 : i32
        %dma_start3A_536 = arith.constant 5 : i32
        %dma_start3A_537 = arith.constant 0 : i32
        %dma_start3A_538 = arith.constant 0 : i32
        %dma_start3A_539 = tpu.memref_slice %arg6[%dma_start3A_536, %dma_start3A_537, %dma_start3A_538] : memref<6x8x2048xf32, #tpu.memory_space<vmem>> -> memref<1x8x2048xf32, #tpu.memory_space<vmem>>
        %dma_start3A_540 = tpu.memref_squeeze %dma_start3A_539 : memref<1x8x2048xf32, #tpu.memory_space<vmem>> -> memref<8x2048xf32, #tpu.memory_space<vmem>>
        %dma_start3A_541 = tpu.memref_slice %arg5[%mul3A_535] : memref<512xi32, #tpu.memory_space<vmem>> -> memref<8xi32, #tpu.memory_space<vmem>>
        %dma_start3A_542 = arith.constant 0 : i32
        %dma_start3A_543 = arith.constant 0 : i32
        %dma_start3A_544 = tpu.memref_slice %arg3[%dma_start3A_542, %dma_start3A_543] : memref<100000x2048xf32, #tpu.memory_space<hbm>> -> memref<100000x2048xf32, #tpu.memory_space<hbm>>
        tpu.enqueue_indirect_dma source(%dma_start3A_544 : memref<100000x2048xf32, #tpu.memory_space<hbm>>) target(%dma_start3A_540 : memref<8x2048xf32, #tpu.memory_space<vmem>>) offsets(%dma_start3A_541 : memref<8xi32, #tpu.memory_space<vmem>>) semaphore(%arg12 : memref<!tpu.dma_semaphore, #tpu.memory_space<semaphore_mem>>)
      } else {
      }
      %add3A_348 = arith.constant 2 : i32
      %add3A_349 = arith.addi %add3A_259, %add3A_348 : i32
      %mul3A_350 = arith.constant 8 : i32
      %mul3A_351 = arith.muli %add3A_349, %mul3A_350 : i32
      %dma_wait3A_352 = arith.constant 2 : i32
      %dma_wait3A_353 = arith.constant 0 : i32
      %dma_wait3A_354 = arith.constant 0 : i32
      %dma_wait3A_355 = tpu.memref_slice %arg6[%dma_wait3A_352, %dma_wait3A_353, %dma_wait3A_354] : memref<6x8x2048xf32, #tpu.memory_space<vmem>> -> memref<1x8x2048xf32, #tpu.memory_space<vmem>>
      %dma_wait3A_356 = tpu.memref_squeeze %dma_wait3A_355 : memref<1x8x2048xf32, #tpu.memory_space<vmem>> -> memref<8x2048xf32, #tpu.memory_space<vmem>>
      %dma_wait3A_357 = tpu.memref_slice %arg5[%mul3A_351] : memref<512xi32, #tpu.memory_space<vmem>> -> memref<8xi32, #tpu.memory_space<vmem>>
      %dma_wait3A_358 = arith.constant 0 : i32
      %dma_wait3A_359 = arith.constant 0 : i32
      %dma_wait3A_360 = tpu.memref_slice %arg3[%dma_wait3A_358, %dma_wait3A_359] : memref<100000x2048xf32, #tpu.memory_space<hbm>> -> memref<100000x2048xf32, #tpu.memory_space<hbm>>
      tpu.wait_indirect_dma semaphore(%arg9 : memref<!tpu.dma_semaphore, #tpu.memory_space<semaphore_mem>>) src(%dma_wait3A_360 : memref<100000x2048xf32, #tpu.memory_space<hbm>>) dst(%dma_wait3A_356 : memref<8x2048xf32, #tpu.memory_space<vmem>>)
      %scan3A_361 = arith.constant 0 : i32
      %scan3A_362 = arith.constant 8 : i32
      %scan3A_363 = arith.addi %scan3A_361, %scan3A_362 : i32
      %scan3A_364 = arith.constant 1 : i32
      scf.for %scan3A_532 = %scan3A_361 to %scan3A_363 step %scan3A_364  : i32 {
        %mul3A_533 = arith.constant 1 : i32
        %mul3A_534 = arith.muli %scan3A_532, %mul3A_533 : i32
        %add3A_535 = arith.constant 0 : i32
        %add3A_536 = arith.addi %add3A_535, %mul3A_534 : i32
        %parallel_loop3A = arith.constant 0 : i32
        %parallel_loop3A_537 = arith.constant 128 : i32
        %parallel_loop3A_538 = arith.constant 1 : i32
        scf.for %parallel_loop3A_539 = %parallel_loop3A to %parallel_loop3A_537 step %parallel_loop3A_538  : i32 {
          %parallel_loop3A_540 = arith.constant 16 : i32
          %parallel_loop3A_541 = arith.muli %parallel_loop3A_539, %parallel_loop3A_540 : i32
          %parallel_loop3A_542 = arith.constant 2 : i32
          %parallel_loop3A_543 = arith.index_cast %parallel_loop3A_542 : i32 to index
          %parallel_loop3A_544 = arith.index_cast %add3A_536 : i32 to index
          %parallel_loop3A_545 = arith.index_cast %parallel_loop3A_541 : i32 to index
          %parallel_loop3A_546 = tpu.vector_load %arg6[%parallel_loop3A_543, %parallel_loop3A_544, %parallel_loop3A_545] {strides = array<i32>} : memref<6x8x2048xf32, #tpu.memory_space<vmem>>, vector<1x1x16xf32>,
          %parallel_loop3A_547 = vector.shape_cast %parallel_loop3A_546 : vector<1x1x16xf32> to vector<16xf32>
          %parallel_loop3A_548 = arith.constant 45.2548332 : f32
          %parallel_loop3A_549 = vector.broadcast %parallel_loop3A_548 : f32 to vector<16xf32>
          %parallel_loop3A_550 = arith.mulf %parallel_loop3A_547, %parallel_loop3A_549 : vector<16xf32>
          %parallel_loop3A_551 = arith.constant 2 : i32
          %parallel_loop3A_552 = arith.index_cast %parallel_loop3A_551 : i32 to index
          %parallel_loop3A_553 = arith.index_cast %add3A_536 : i32 to index
          %parallel_loop3A_554 = arith.index_cast %parallel_loop3A_541 : i32 to index
          %parallel_loop3A_555 = tpu.vector_load %arg6[%parallel_loop3A_552, %parallel_loop3A_553, %parallel_loop3A_554] {strides = array<i32>} : memref<6x8x2048xf32, #tpu.memory_space<vmem>>, vector<1x1x16xf32>,
          %parallel_loop3A_556 = vector.shape_cast %parallel_loop3A_555 : vector<1x1x16xf32> to vector<16xf32>
          %parallel_loop3A_557 = vector.shape_cast %parallel_loop3A_550 : vector<16xf32> to vector<1x1x16xf32>
          tpu.vector_store %arg6[%parallel_loop3A_552, %parallel_loop3A_553, %parallel_loop3A_554], %parallel_loop3A_557 {strides = array<i32>} : memref<6x8x2048xf32, #tpu.memory_space<vmem>>, vector<1x1x16xf32>,
        } {sc.loop_unroll_factor = 8 : i64, sc.parallel_access}
      }
      %scan3A_365 = arith.constant 8 : i32
      %mul3A_366 = arith.constant 8 : i32
      %mul3A_367 = arith.muli %add3A_349, %mul3A_366 : i32
      %add3A_368 = arith.addi %mul3A_2, %mul3A_367 : i32
      %dma_start3A_369 = arith.constant 2 : i32
      %dma_start3A_370 = arith.constant 0 : i32
      %dma_start3A_371 = arith.constant 0 : i32
      %dma_start3A_372 = tpu.memref_slice %arg6[%dma_start3A_369, %dma_start3A_370, %dma_start3A_371] : memref<6x8x2048xf32, #tpu.memory_space<vmem>> -> memref<1x8x2048xf32, #tpu.memory_space<vmem>>
      %dma_start3A_373 = tpu.memref_squeeze %dma_start3A_372 : memref<1x8x2048xf32, #tpu.memory_space<vmem>> -> memref<8x2048xf32, #tpu.memory_space<vmem>>
      %dma_start3A_374 = arith.constant 0 : i32
      %dma_start3A_375 = tpu.memref_slice %arg4[%add3A_368, %dma_start3A_374] : memref<16384x2048xf32, #tpu.memory_space<hbm>> -> memref<8x2048xf32, #tpu.memory_space<hbm>>
      %dma_start3A_376 = arith.constant 0 : i32
      %dma_start3A_377 = tpu.memref_slice %arg4[%add3A_368, %dma_start3A_376] : memref<16384x2048xf32, #tpu.memory_space<hbm>> -> memref<8x2048xf32, #tpu.memory_space<hbm>>
      %dma_start3A_378 = arith.constant 0 : i32
      %dma_start3A_379 = arith.constant 0 : i32
      %dma_start3A_380 = tpu.memref_slice %arg6[%dma_start3A_369, %dma_start3A_378, %dma_start3A_379] : memref<6x8x2048xf32, #tpu.memory_space<vmem>> -> memref<1x8x2048xf32, #tpu.memory_space<vmem>>
      %dma_start3A_381 = tpu.memref_squeeze %dma_start3A_380 : memref<1x8x2048xf32, #tpu.memory_space<vmem>> -> memref<8x2048xf32, #tpu.memory_space<vmem>>
      tpu.enqueue_dma source(%dma_start3A_381 : memref<8x2048xf32, #tpu.memory_space<vmem>>) target(%dma_start3A_377 : memref<8x2048xf32, #tpu.memory_space<hbm>>) target_semaphore(%arg15 : memref<!tpu.dma_semaphore, #tpu.memory_space<semaphore_mem>>)
      %ge3A_382 = arith.constant 2 : i32
      %ge3A_383 = arith.cmpi sge, %add3A_349, %ge3A_382 : i32
      %convert_element_type3A_384 = arith.extui %ge3A_383 : i1 to i32
      %cond3A_385 = arith.constant 0 : i32
      %cond3A_386 = arith.cmpi ne, %convert_element_type3A_384, %cond3A_385 : i32
      scf.if %cond3A_386 {
        %sub3A = arith.constant 2 : i32
        %sub3A_532 = arith.subi %add3A_349, %sub3A : i32
        %mul3A_533 = arith.constant 8 : i32
        %mul3A_534 = arith.muli %sub3A_532, %mul3A_533 : i32
        %add3A_535 = arith.addi %mul3A_2, %mul3A_534 : i32
        %dma_wait3A_536 = arith.constant 0 : i32
        %dma_wait3A_537 = arith.constant 0 : i32
        %dma_wait3A_538 = arith.constant 0 : i32
        %dma_wait3A_539 = tpu.memref_slice %arg6[%dma_wait3A_536, %dma_wait3A_537, %dma_wait3A_538] : memref<6x8x2048xf32, #tpu.memory_space<vmem>> -> memref<1x8x2048xf32, #tpu.memory_space<vmem>>
        %dma_wait3A_540 = tpu.memref_squeeze %dma_wait3A_539 : memref<1x8x2048xf32, #tpu.memory_space<vmem>> -> memref<8x2048xf32, #tpu.memory_space<vmem>>
        %dma_wait3A_541 = arith.constant 0 : i32
        %dma_wait3A_542 = tpu.memref_slice %arg4[%add3A_535, %dma_wait3A_541] : memref<16384x2048xf32, #tpu.memory_space<hbm>> -> memref<8x2048xf32, #tpu.memory_space<hbm>>
        %dma_wait3A_543 = arith.constant 0 : i32
        %dma_wait3A_544 = tpu.memref_slice %arg4[%add3A_535, %dma_wait3A_543] : memref<16384x2048xf32, #tpu.memory_space<hbm>> -> memref<8x2048xf32, #tpu.memory_space<hbm>>
        %dma_wait3A_545 = arith.constant 0 : i32
        %dma_wait3A_546 = arith.constant 0 : i32
        %dma_wait3A_547 = tpu.memref_slice %arg6[%dma_wait3A_536, %dma_wait3A_545, %dma_wait3A_546] : memref<6x8x2048xf32, #tpu.memory_space<vmem>> -> memref<1x8x2048xf32, #tpu.memory_space<vmem>>
        %dma_wait3A_548 = tpu.memref_squeeze %dma_wait3A_547 : memref<1x8x2048xf32, #tpu.memory_space<vmem>> -> memref<8x2048xf32, #tpu.memory_space<vmem>>
        tpu.wait_dma2 semaphore(%arg13 : memref<!tpu.dma_semaphore, #tpu.memory_space<semaphore_mem>>) src(%dma_wait3A_548 : memref<8x2048xf32, #tpu.memory_space<vmem>>) dst(%dma_wait3A_544 : memref<8x2048xf32, #tpu.memory_space<hbm>>)
      } else {
      }
      %add3A_387 = arith.constant 4 : i32
      %add3A_388 = arith.addi %add3A_349, %add3A_387 : i32
      %lt3A_389 = arith.constant 64 : i32
      %lt3A_390 = arith.cmpi slt, %add3A_388, %lt3A_389 : i32
      %convert_element_type3A_391 = arith.extui %lt3A_390 : i1 to i32
      %cond3A_392 = arith.constant 0 : i32
      %cond3A_393 = arith.cmpi ne, %convert_element_type3A_391, %cond3A_392 : i32
      scf.if %cond3A_393 {
        %add3A_532 = arith.constant 4 : i32
        %add3A_533 = arith.addi %add3A_349, %add3A_532 : i32
        %mul3A_534 = arith.constant 8 : i32
        %mul3A_535 = arith.muli %add3A_533, %mul3A_534 : i32
        %dma_start3A_536 = arith.constant 0 : i32
        %dma_start3A_537 = arith.constant 0 : i32
        %dma_start3A_538 = arith.constant 0 : i32
        %dma_start3A_539 = tpu.memref_slice %arg6[%dma_start3A_536, %dma_start3A_537, %dma_start3A_538] : memref<6x8x2048xf32, #tpu.memory_space<vmem>> -> memref<1x8x2048xf32, #tpu.memory_space<vmem>>
        %dma_start3A_540 = tpu.memref_squeeze %dma_start3A_539 : memref<1x8x2048xf32, #tpu.memory_space<vmem>> -> memref<8x2048xf32, #tpu.memory_space<vmem>>
        %dma_start3A_541 = tpu.memref_slice %arg5[%mul3A_535] : memref<512xi32, #tpu.memory_space<vmem>> -> memref<8xi32, #tpu.memory_space<vmem>>
        %dma_start3A_542 = arith.constant 0 : i32
        %dma_start3A_543 = arith.constant 0 : i32
        %dma_start3A_544 = tpu.memref_slice %arg3[%dma_start3A_542, %dma_start3A_543] : memref<100000x2048xf32, #tpu.memory_space<hbm>> -> memref<100000x2048xf32, #tpu.memory_space<hbm>>
        tpu.enqueue_indirect_dma source(%dma_start3A_544 : memref<100000x2048xf32, #tpu.memory_space<hbm>>) target(%dma_start3A_540 : memref<8x2048xf32, #tpu.memory_space<vmem>>) offsets(%dma_start3A_541 : memref<8xi32, #tpu.memory_space<vmem>>) semaphore(%arg7 : memref<!tpu.dma_semaphore, #tpu.memory_space<semaphore_mem>>)
      } else {
      }
      %add3A_394 = arith.constant 3 : i32
      %add3A_395 = arith.addi %add3A_259, %add3A_394 : i32
      %mul3A_396 = arith.constant 8 : i32
      %mul3A_397 = arith.muli %add3A_395, %mul3A_396 : i32
      %dma_wait3A_398 = arith.constant 3 : i32
      %dma_wait3A_399 = arith.constant 0 : i32
      %dma_wait3A_400 = arith.constant 0 : i32
      %dma_wait3A_401 = tpu.memref_slice %arg6[%dma_wait3A_398, %dma_wait3A_399, %dma_wait3A_400] : memref<6x8x2048xf32, #tpu.memory_space<vmem>> -> memref<1x8x2048xf32, #tpu.memory_space<vmem>>
      %dma_wait3A_402 = tpu.memref_squeeze %dma_wait3A_401 : memref<1x8x2048xf32, #tpu.memory_space<vmem>> -> memref<8x2048xf32, #tpu.memory_space<vmem>>
      %dma_wait3A_403 = tpu.memref_slice %arg5[%mul3A_397] : memref<512xi32, #tpu.memory_space<vmem>> -> memref<8xi32, #tpu.memory_space<vmem>>
      %dma_wait3A_404 = arith.constant 0 : i32
      %dma_wait3A_405 = arith.constant 0 : i32
      %dma_wait3A_406 = tpu.memref_slice %arg3[%dma_wait3A_404, %dma_wait3A_405] : memref<100000x2048xf32, #tpu.memory_space<hbm>> -> memref<100000x2048xf32, #tpu.memory_space<hbm>>
      tpu.wait_indirect_dma semaphore(%arg10 : memref<!tpu.dma_semaphore, #tpu.memory_space<semaphore_mem>>) src(%dma_wait3A_406 : memref<100000x2048xf32, #tpu.memory_space<hbm>>) dst(%dma_wait3A_402 : memref<8x2048xf32, #tpu.memory_space<vmem>>)
      %scan3A_407 = arith.constant 0 : i32
      %scan3A_408 = arith.constant 8 : i32
      %scan3A_409 = arith.addi %scan3A_407, %scan3A_408 : i32
      %scan3A_410 = arith.constant 1 : i32
      scf.for %scan3A_532 = %scan3A_407 to %scan3A_409 step %scan3A_410  : i32 {
        %mul3A_533 = arith.constant 1 : i32
        %mul3A_534 = arith.muli %scan3A_532, %mul3A_533 : i32
        %add3A_535 = arith.constant 0 : i32
        %add3A_536 = arith.addi %add3A_535, %mul3A_534 : i32
        %parallel_loop3A = arith.constant 0 : i32
        %parallel_loop3A_537 = arith.constant 128 : i32
        %parallel_loop3A_538 = arith.constant 1 : i32
        scf.for %parallel_loop3A_539 = %parallel_loop3A to %parallel_loop3A_537 step %parallel_loop3A_538  : i32 {
          %parallel_loop3A_540 = arith.constant 16 : i32
          %parallel_loop3A_541 = arith.muli %parallel_loop3A_539, %parallel_loop3A_540 : i32
          %parallel_loop3A_542 = arith.constant 3 : i32
          %parallel_loop3A_543 = arith.index_cast %parallel_loop3A_542 : i32 to index
          %parallel_loop3A_544 = arith.index_cast %add3A_536 : i32 to index
          %parallel_loop3A_545 = arith.index_cast %parallel_loop3A_541 : i32 to index
          %parallel_loop3A_546 = tpu.vector_load %arg6[%parallel_loop3A_543, %parallel_loop3A_544, %parallel_loop3A_545] {strides = array<i32>} : memref<6x8x2048xf32, #tpu.memory_space<vmem>>, vector<1x1x16xf32>,
          %parallel_loop3A_547 = vector.shape_cast %parallel_loop3A_546 : vector<1x1x16xf32> to vector<16xf32>
          %parallel_loop3A_548 = arith.constant 45.2548332 : f32
          %parallel_loop3A_549 = vector.broadcast %parallel_loop3A_548 : f32 to vector<16xf32>
          %parallel_loop3A_550 = arith.mulf %parallel_loop3A_547, %parallel_loop3A_549 : vector<16xf32>
          %parallel_loop3A_551 = arith.constant 3 : i32
          %parallel_loop3A_552 = arith.index_cast %parallel_loop3A_551 : i32 to index
          %parallel_loop3A_553 = arith.index_cast %add3A_536 : i32 to index
          %parallel_loop3A_554 = arith.index_cast %parallel_loop3A_541 : i32 to index
          %parallel_loop3A_555 = tpu.vector_load %arg6[%parallel_loop3A_552, %parallel_loop3A_553, %parallel_loop3A_554] {strides = array<i32>} : memref<6x8x2048xf32, #tpu.memory_space<vmem>>, vector<1x1x16xf32>,
          %parallel_loop3A_556 = vector.shape_cast %parallel_loop3A_555 : vector<1x1x16xf32> to vector<16xf32>
          %parallel_loop3A_557 = vector.shape_cast %parallel_loop3A_550 : vector<16xf32> to vector<1x1x16xf32>
          tpu.vector_store %arg6[%parallel_loop3A_552, %parallel_loop3A_553, %parallel_loop3A_554], %parallel_loop3A_557 {strides = array<i32>} : memref<6x8x2048xf32, #tpu.memory_space<vmem>>, vector<1x1x16xf32>,
        } {sc.loop_unroll_factor = 8 : i64, sc.parallel_access}
      }
      %scan3A_411 = arith.constant 8 : i32
      %mul3A_412 = arith.constant 8 : i32
      %mul3A_413 = arith.muli %add3A_395, %mul3A_412 : i32
      %add3A_414 = arith.addi %mul3A_2, %mul3A_413 : i32
      %dma_start3A_415 = arith.constant 3 : i32
      %dma_start3A_416 = arith.constant 0 : i32
      %dma_start3A_417 = arith.constant 0 : i32
      %dma_start3A_418 = tpu.memref_slice %arg6[%dma_start3A_415, %dma_start3A_416, %dma_start3A_417] : memref<6x8x2048xf32, #tpu.memory_space<vmem>> -> memref<1x8x2048xf32, #tpu.memory_space<vmem>>
      %dma_start3A_419 = tpu.memref_squeeze %dma_start3A_418 : memref<1x8x2048xf32, #tpu.memory_space<vmem>> -> memref<8x2048xf32, #tpu.memory_space<vmem>>
      %dma_start3A_420 = arith.constant 0 : i32
      %dma_start3A_421 = tpu.memref_slice %arg4[%add3A_414, %dma_start3A_420] : memref<16384x2048xf32, #tpu.memory_space<hbm>> -> memref<8x2048xf32, #tpu.memory_space<hbm>>
      %dma_start3A_422 = arith.constant 0 : i32
      %dma_start3A_423 = tpu.memref_slice %arg4[%add3A_414, %dma_start3A_422] : memref<16384x2048xf32, #tpu.memory_space<hbm>> -> memref<8x2048xf32, #tpu.memory_space<hbm>>
      %dma_start3A_424 = arith.constant 0 : i32
      %dma_start3A_425 = arith.constant 0 : i32
      %dma_start3A_426 = tpu.memref_slice %arg6[%dma_start3A_415, %dma_start3A_424, %dma_start3A_425] : memref<6x8x2048xf32, #tpu.memory_space<vmem>> -> memref<1x8x2048xf32, #tpu.memory_space<vmem>>
      %dma_start3A_427 = tpu.memref_squeeze %dma_start3A_426 : memref<1x8x2048xf32, #tpu.memory_space<vmem>> -> memref<8x2048xf32, #tpu.memory_space<vmem>>
      tpu.enqueue_dma source(%dma_start3A_427 : memref<8x2048xf32, #tpu.memory_space<vmem>>) target(%dma_start3A_423 : memref<8x2048xf32, #tpu.memory_space<hbm>>) target_semaphore(%arg16 : memref<!tpu.dma_semaphore, #tpu.memory_space<semaphore_mem>>)
      %ge3A_428 = arith.constant 2 : i32
      %ge3A_429 = arith.cmpi sge, %add3A_395, %ge3A_428 : i32
      %convert_element_type3A_430 = arith.extui %ge3A_429 : i1 to i32
      %cond3A_431 = arith.constant 0 : i32
      %cond3A_432 = arith.cmpi ne, %convert_element_type3A_430, %cond3A_431 : i32
      scf.if %cond3A_432 {
        %sub3A = arith.constant 2 : i32
        %sub3A_532 = arith.subi %add3A_395, %sub3A : i32
        %mul3A_533 = arith.constant 8 : i32
        %mul3A_534 = arith.muli %sub3A_532, %mul3A_533 : i32
        %add3A_535 = arith.addi %mul3A_2, %mul3A_534 : i32
        %dma_wait3A_536 = arith.constant 1 : i32
        %dma_wait3A_537 = arith.constant 0 : i32
        %dma_wait3A_538 = arith.constant 0 : i32
        %dma_wait3A_539 = tpu.memref_slice %arg6[%dma_wait3A_536, %dma_wait3A_537, %dma_wait3A_538] : memref<6x8x2048xf32, #tpu.memory_space<vmem>> -> memref<1x8x2048xf32, #tpu.memory_space<vmem>>
        %dma_wait3A_540 = tpu.memref_squeeze %dma_wait3A_539 : memref<1x8x2048xf32, #tpu.memory_space<vmem>> -> memref<8x2048xf32, #tpu.memory_space<vmem>>
        %dma_wait3A_541 = arith.constant 0 : i32
        %dma_wait3A_542 = tpu.memref_slice %arg4[%add3A_535, %dma_wait3A_541] : memref<16384x2048xf32, #tpu.memory_space<hbm>> -> memref<8x2048xf32, #tpu.memory_space<hbm>>
        %dma_wait3A_543 = arith.constant 0 : i32
        %dma_wait3A_544 = tpu.memref_slice %arg4[%add3A_535, %dma_wait3A_543] : memref<16384x2048xf32, #tpu.memory_space<hbm>> -> memref<8x2048xf32, #tpu.memory_space<hbm>>
        %dma_wait3A_545 = arith.constant 0 : i32
        %dma_wait3A_546 = arith.constant 0 : i32
        %dma_wait3A_547 = tpu.memref_slice %arg6[%dma_wait3A_536, %dma_wait3A_545, %dma_wait3A_546] : memref<6x8x2048xf32, #tpu.memory_space<vmem>> -> memref<1x8x2048xf32, #tpu.memory_space<vmem>>
        %dma_wait3A_548 = tpu.memref_squeeze %dma_wait3A_547 : memref<1x8x2048xf32, #tpu.memory_space<vmem>> -> memref<8x2048xf32, #tpu.memory_space<vmem>>
        tpu.wait_dma2 semaphore(%arg14 : memref<!tpu.dma_semaphore, #tpu.memory_space<semaphore_mem>>) src(%dma_wait3A_548 : memref<8x2048xf32, #tpu.memory_space<vmem>>) dst(%dma_wait3A_544 : memref<8x2048xf32, #tpu.memory_space<hbm>>)
      } else {
      }
      %add3A_433 = arith.constant 4 : i32
      %add3A_434 = arith.addi %add3A_395, %add3A_433 : i32
      %lt3A_435 = arith.constant 64 : i32
      %lt3A_436 = arith.cmpi slt, %add3A_434, %lt3A_435 : i32
      %convert_element_type3A_437 = arith.extui %lt3A_436 : i1 to i32
      %cond3A_438 = arith.constant 0 : i32
      %cond3A_439 = arith.cmpi ne, %convert_element_type3A_437, %cond3A_438 : i32
      scf.if %cond3A_439 {
        %add3A_532 = arith.constant 4 : i32
        %add3A_533 = arith.addi %add3A_395, %add3A_532 : i32
        %mul3A_534 = arith.constant 8 : i32
        %mul3A_535 = arith.muli %add3A_533, %mul3A_534 : i32
        %dma_start3A_536 = arith.constant 1 : i32
        %dma_start3A_537 = arith.constant 0 : i32
        %dma_start3A_538 = arith.constant 0 : i32
        %dma_start3A_539 = tpu.memref_slice %arg6[%dma_start3A_536, %dma_start3A_537, %dma_start3A_538] : memref<6x8x2048xf32, #tpu.memory_space<vmem>> -> memref<1x8x2048xf32, #tpu.memory_space<vmem>>
        %dma_start3A_540 = tpu.memref_squeeze %dma_start3A_539 : memref<1x8x2048xf32, #tpu.memory_space<vmem>> -> memref<8x2048xf32, #tpu.memory_space<vmem>>
        %dma_start3A_541 = tpu.memref_slice %arg5[%mul3A_535] : memref<512xi32, #tpu.memory_space<vmem>> -> memref<8xi32, #tpu.memory_space<vmem>>
        %dma_start3A_542 = arith.constant 0 : i32
        %dma_start3A_543 = arith.constant 0 : i32
        %dma_start3A_544 = tpu.memref_slice %arg3[%dma_start3A_542, %dma_start3A_543] : memref<100000x2048xf32, #tpu.memory_space<hbm>> -> memref<100000x2048xf32, #tpu.memory_space<hbm>>
        tpu.enqueue_indirect_dma source(%dma_start3A_544 : memref<100000x2048xf32, #tpu.memory_space<hbm>>) target(%dma_start3A_540 : memref<8x2048xf32, #tpu.memory_space<vmem>>) offsets(%dma_start3A_541 : memref<8xi32, #tpu.memory_space<vmem>>) semaphore(%arg8 : memref<!tpu.dma_semaphore, #tpu.memory_space<semaphore_mem>>)
      } else {
      }
      %add3A_440 = arith.constant 4 : i32
      %add3A_441 = arith.addi %add3A_259, %add3A_440 : i32
      %mul3A_442 = arith.constant 8 : i32
      %mul3A_443 = arith.muli %add3A_441, %mul3A_442 : i32
      %dma_wait3A_444 = arith.constant 4 : i32
      %dma_wait3A_445 = arith.constant 0 : i32
      %dma_wait3A_446 = arith.constant 0 : i32
      %dma_wait3A_447 = tpu.memref_slice %arg6[%dma_wait3A_444, %dma_wait3A_445, %dma_wait3A_446] : memref<6x8x2048xf32, #tpu.memory_space<vmem>> -> memref<1x8x2048xf32, #tpu.memory_space<vmem>>
      %dma_wait3A_448 = tpu.memref_squeeze %dma_wait3A_447 : memref<1x8x2048xf32, #tpu.memory_space<vmem>> -> memref<8x2048xf32, #tpu.memory_space<vmem>>
      %dma_wait3A_449 = tpu.memref_slice %arg5[%mul3A_443] : memref<512xi32, #tpu.memory_space<vmem>> -> memref<8xi32, #tpu.memory_space<vmem>>
      %dma_wait3A_450 = arith.constant 0 : i32
      %dma_wait3A_451 = arith.constant 0 : i32
      %dma_wait3A_452 = tpu.memref_slice %arg3[%dma_wait3A_450, %dma_wait3A_451] : memref<100000x2048xf32, #tpu.memory_space<hbm>> -> memref<100000x2048xf32, #tpu.memory_space<hbm>>
      tpu.wait_indirect_dma semaphore(%arg11 : memref<!tpu.dma_semaphore, #tpu.memory_space<semaphore_mem>>) src(%dma_wait3A_452 : memref<100000x2048xf32, #tpu.memory_space<hbm>>) dst(%dma_wait3A_448 : memref<8x2048xf32, #tpu.memory_space<vmem>>)
      %scan3A_453 = arith.constant 0 : i32
      %scan3A_454 = arith.constant 8 : i32
      %scan3A_455 = arith.addi %scan3A_453, %scan3A_454 : i32
      %scan3A_456 = arith.constant 1 : i32
      scf.for %scan3A_532 = %scan3A_453 to %scan3A_455 step %scan3A_456  : i32 {
        %mul3A_533 = arith.constant 1 : i32
        %mul3A_534 = arith.muli %scan3A_532, %mul3A_533 : i32
        %add3A_535 = arith.constant 0 : i32
        %add3A_536 = arith.addi %add3A_535, %mul3A_534 : i32
        %parallel_loop3A = arith.constant 0 : i32
        %parallel_loop3A_537 = arith.constant 128 : i32
        %parallel_loop3A_538 = arith.constant 1 : i32
        scf.for %parallel_loop3A_539 = %parallel_loop3A to %parallel_loop3A_537 step %parallel_loop3A_538  : i32 {
          %parallel_loop3A_540 = arith.constant 16 : i32
          %parallel_loop3A_541 = arith.muli %parallel_loop3A_539, %parallel_loop3A_540 : i32
          %parallel_loop3A_542 = arith.constant 4 : i32
          %parallel_loop3A_543 = arith.index_cast %parallel_loop3A_542 : i32 to index
          %parallel_loop3A_544 = arith.index_cast %add3A_536 : i32 to index
          %parallel_loop3A_545 = arith.index_cast %parallel_loop3A_541 : i32 to index
          %parallel_loop3A_546 = tpu.vector_load %arg6[%parallel_loop3A_543, %parallel_loop3A_544, %parallel_loop3A_545] {strides = array<i32>} : memref<6x8x2048xf32, #tpu.memory_space<vmem>>, vector<1x1x16xf32>,
          %parallel_loop3A_547 = vector.shape_cast %parallel_loop3A_546 : vector<1x1x16xf32> to vector<16xf32>
          %parallel_loop3A_548 = arith.constant 45.2548332 : f32
          %parallel_loop3A_549 = vector.broadcast %parallel_loop3A_548 : f32 to vector<16xf32>
          %parallel_loop3A_550 = arith.mulf %parallel_loop3A_547, %parallel_loop3A_549 : vector<16xf32>
          %parallel_loop3A_551 = arith.constant 4 : i32
          %parallel_loop3A_552 = arith.index_cast %parallel_loop3A_551 : i32 to index
          %parallel_loop3A_553 = arith.index_cast %add3A_536 : i32 to index
          %parallel_loop3A_554 = arith.index_cast %parallel_loop3A_541 : i32 to index
          %parallel_loop3A_555 = tpu.vector_load %arg6[%parallel_loop3A_552, %parallel_loop3A_553, %parallel_loop3A_554] {strides = array<i32>} : memref<6x8x2048xf32, #tpu.memory_space<vmem>>, vector<1x1x16xf32>,
          %parallel_loop3A_556 = vector.shape_cast %parallel_loop3A_555 : vector<1x1x16xf32> to vector<16xf32>
          %parallel_loop3A_557 = vector.shape_cast %parallel_loop3A_550 : vector<16xf32> to vector<1x1x16xf32>
          tpu.vector_store %arg6[%parallel_loop3A_552, %parallel_loop3A_553, %parallel_loop3A_554], %parallel_loop3A_557 {strides = array<i32>} : memref<6x8x2048xf32, #tpu.memory_space<vmem>>, vector<1x1x16xf32>,
        } {sc.loop_unroll_factor = 8 : i64, sc.parallel_access}
      }
      %scan3A_457 = arith.constant 8 : i32
      %mul3A_458 = arith.constant 8 : i32
      %mul3A_459 = arith.muli %add3A_441, %mul3A_458 : i32
      %add3A_460 = arith.addi %mul3A_2, %mul3A_459 : i32
      %dma_start3A_461 = arith.constant 4 : i32
      %dma_start3A_462 = arith.constant 0 : i32
      %dma_start3A_463 = arith.constant 0 : i32
      %dma_start3A_464 = tpu.memref_slice %arg6[%dma_start3A_461, %dma_start3A_462, %dma_start3A_463] : memref<6x8x2048xf32, #tpu.memory_space<vmem>> -> memref<1x8x2048xf32, #tpu.memory_space<vmem>>
      %dma_start3A_465 = tpu.memref_squeeze %dma_start3A_464 : memref<1x8x2048xf32, #tpu.memory_space<vmem>> -> memref<8x2048xf32, #tpu.memory_space<vmem>>
      %dma_start3A_466 = arith.constant 0 : i32
      %dma_start3A_467 = tpu.memref_slice %arg4[%add3A_460, %dma_start3A_466] : memref<16384x2048xf32, #tpu.memory_space<hbm>> -> memref<8x2048xf32, #tpu.memory_space<hbm>>
      %dma_start3A_468 = arith.constant 0 : i32
      %dma_start3A_469 = tpu.memref_slice %arg4[%add3A_460, %dma_start3A_468] : memref<16384x2048xf32, #tpu.memory_space<hbm>> -> memref<8x2048xf32, #tpu.memory_space<hbm>>
      %dma_start3A_470 = arith.constant 0 : i32
      %dma_start3A_471 = arith.constant 0 : i32
      %dma_start3A_472 = tpu.memref_slice %arg6[%dma_start3A_461, %dma_start3A_470, %dma_start3A_471] : memref<6x8x2048xf32, #tpu.memory_space<vmem>> -> memref<1x8x2048xf32, #tpu.memory_space<vmem>>
      %dma_start3A_473 = tpu.memref_squeeze %dma_start3A_472 : memref<1x8x2048xf32, #tpu.memory_space<vmem>> -> memref<8x2048xf32, #tpu.memory_space<vmem>>
      tpu.enqueue_dma source(%dma_start3A_473 : memref<8x2048xf32, #tpu.memory_space<vmem>>) target(%dma_start3A_469 : memref<8x2048xf32, #tpu.memory_space<hbm>>) target_semaphore(%arg17 : memref<!tpu.dma_semaphore, #tpu.memory_space<semaphore_mem>>)
      %ge3A_474 = arith.constant 2 : i32
      %ge3A_475 = arith.cmpi sge, %add3A_441, %ge3A_474 : i32
      %convert_element_type3A_476 = arith.extui %ge3A_475 : i1 to i32
      %cond3A_477 = arith.constant 0 : i32
      %cond3A_478 = arith.cmpi ne, %convert_element_type3A_476, %cond3A_477 : i32
      scf.if %cond3A_478 {
        %sub3A = arith.constant 2 : i32
        %sub3A_532 = arith.subi %add3A_441, %sub3A : i32
        %mul3A_533 = arith.constant 8 : i32
        %mul3A_534 = arith.muli %sub3A_532, %mul3A_533 : i32
        %add3A_535 = arith.addi %mul3A_2, %mul3A_534 : i32
        %dma_wait3A_536 = arith.constant 2 : i32
        %dma_wait3A_537 = arith.constant 0 : i32
        %dma_wait3A_538 = arith.constant 0 : i32
        %dma_wait3A_539 = tpu.memref_slice %arg6[%dma_wait3A_536, %dma_wait3A_537, %dma_wait3A_538] : memref<6x8x2048xf32, #tpu.memory_space<vmem>> -> memref<1x8x2048xf32, #tpu.memory_space<vmem>>
        %dma_wait3A_540 = tpu.memref_squeeze %dma_wait3A_539 : memref<1x8x2048xf32, #tpu.memory_space<vmem>> -> memref<8x2048xf32, #tpu.memory_space<vmem>>
        %dma_wait3A_541 = arith.constant 0 : i32
        %dma_wait3A_542 = tpu.memref_slice %arg4[%add3A_535, %dma_wait3A_541] : memref<16384x2048xf32, #tpu.memory_space<hbm>> -> memref<8x2048xf32, #tpu.memory_space<hbm>>
        %dma_wait3A_543 = arith.constant 0 : i32
        %dma_wait3A_544 = tpu.memref_slice %arg4[%add3A_535, %dma_wait3A_543] : memref<16384x2048xf32, #tpu.memory_space<hbm>> -> memref<8x2048xf32, #tpu.memory_space<hbm>>
        %dma_wait3A_545 = arith.constant 0 : i32
        %dma_wait3A_546 = arith.constant 0 : i32
        %dma_wait3A_547 = tpu.memref_slice %arg6[%dma_wait3A_536, %dma_wait3A_545, %dma_wait3A_546] : memref<6x8x2048xf32, #tpu.memory_space<vmem>> -> memref<1x8x2048xf32, #tpu.memory_space<vmem>>
        %dma_wait3A_548 = tpu.memref_squeeze %dma_wait3A_547 : memref<1x8x2048xf32, #tpu.memory_space<vmem>> -> memref<8x2048xf32, #tpu.memory_space<vmem>>
        tpu.wait_dma2 semaphore(%arg15 : memref<!tpu.dma_semaphore, #tpu.memory_space<semaphore_mem>>) src(%dma_wait3A_548 : memref<8x2048xf32, #tpu.memory_space<vmem>>) dst(%dma_wait3A_544 : memref<8x2048xf32, #tpu.memory_space<hbm>>)
      } else {
      }
      %add3A_479 = arith.constant 4 : i32
      %add3A_480 = arith.addi %add3A_441, %add3A_479 : i32
      %lt3A_481 = arith.constant 64 : i32
      %lt3A_482 = arith.cmpi slt, %add3A_480, %lt3A_481 : i32
      %convert_element_type3A_483 = arith.extui %lt3A_482 : i1 to i32
      %cond3A_484 = arith.constant 0 : i32
      %cond3A_485 = arith.cmpi ne, %convert_element_type3A_483, %cond3A_484 : i32
      scf.if %cond3A_485 {
        %add3A_532 = arith.constant 4 : i32
        %add3A_533 = arith.addi %add3A_441, %add3A_532 : i32
        %mul3A_534 = arith.constant 8 : i32
        %mul3A_535 = arith.muli %add3A_533, %mul3A_534 : i32
        %dma_start3A_536 = arith.constant 2 : i32
        %dma_start3A_537 = arith.constant 0 : i32
        %dma_start3A_538 = arith.constant 0 : i32
        %dma_start3A_539 = tpu.memref_slice %arg6[%dma_start3A_536, %dma_start3A_537, %dma_start3A_538] : memref<6x8x2048xf32, #tpu.memory_space<vmem>> -> memref<1x8x2048xf32, #tpu.memory_space<vmem>>
        %dma_start3A_540 = tpu.memref_squeeze %dma_start3A_539 : memref<1x8x2048xf32, #tpu.memory_space<vmem>> -> memref<8x2048xf32, #tpu.memory_space<vmem>>
        %dma_start3A_541 = tpu.memref_slice %arg5[%mul3A_535] : memref<512xi32, #tpu.memory_space<vmem>> -> memref<8xi32, #tpu.memory_space<vmem>>
        %dma_start3A_542 = arith.constant 0 : i32
        %dma_start3A_543 = arith.constant 0 : i32
        %dma_start3A_544 = tpu.memref_slice %arg3[%dma_start3A_542, %dma_start3A_543] : memref<100000x2048xf32, #tpu.memory_space<hbm>> -> memref<100000x2048xf32, #tpu.memory_space<hbm>>
        tpu.enqueue_indirect_dma source(%dma_start3A_544 : memref<100000x2048xf32, #tpu.memory_space<hbm>>) target(%dma_start3A_540 : memref<8x2048xf32, #tpu.memory_space<vmem>>) offsets(%dma_start3A_541 : memref<8xi32, #tpu.memory_space<vmem>>) semaphore(%arg9 : memref<!tpu.dma_semaphore, #tpu.memory_space<semaphore_mem>>)
      } else {
      }
      %add3A_486 = arith.constant 5 : i32
      %add3A_487 = arith.addi %add3A_259, %add3A_486 : i32
      %mul3A_488 = arith.constant 8 : i32
      %mul3A_489 = arith.muli %add3A_487, %mul3A_488 : i32
      %dma_wait3A_490 = arith.constant 5 : i32
      %dma_wait3A_491 = arith.constant 0 : i32
      %dma_wait3A_492 = arith.constant 0 : i32
      %dma_wait3A_493 = tpu.memref_slice %arg6[%dma_wait3A_490, %dma_wait3A_491, %dma_wait3A_492] : memref<6x8x2048xf32, #tpu.memory_space<vmem>> -> memref<1x8x2048xf32, #tpu.memory_space<vmem>>
      %dma_wait3A_494 = tpu.memref_squeeze %dma_wait3A_493 : memref<1x8x2048xf32, #tpu.memory_space<vmem>> -> memref<8x2048xf32, #tpu.memory_space<vmem>>
      %dma_wait3A_495 = tpu.memref_slice %arg5[%mul3A_489] : memref<512xi32, #tpu.memory_space<vmem>> -> memref<8xi32, #tpu.memory_space<vmem>>
      %dma_wait3A_496 = arith.constant 0 : i32
      %dma_wait3A_497 = arith.constant 0 : i32
      %dma_wait3A_498 = tpu.memref_slice %arg3[%dma_wait3A_496, %dma_wait3A_497] : memref<100000x2048xf32, #tpu.memory_space<hbm>> -> memref<100000x2048xf32, #tpu.memory_space<hbm>>
      tpu.wait_indirect_dma semaphore(%arg12 : memref<!tpu.dma_semaphore, #tpu.memory_space<semaphore_mem>>) src(%dma_wait3A_498 : memref<100000x2048xf32, #tpu.memory_space<hbm>>) dst(%dma_wait3A_494 : memref<8x2048xf32, #tpu.memory_space<vmem>>)
      %scan3A_499 = arith.constant 0 : i32
      %scan3A_500 = arith.constant 8 : i32
      %scan3A_501 = arith.addi %scan3A_499, %scan3A_500 : i32
      %scan3A_502 = arith.constant 1 : i32
      scf.for %scan3A_532 = %scan3A_499 to %scan3A_501 step %scan3A_502  : i32 {
        %mul3A_533 = arith.constant 1 : i32
        %mul3A_534 = arith.muli %scan3A_532, %mul3A_533 : i32
        %add3A_535 = arith.constant 0 : i32
        %add3A_536 = arith.addi %add3A_535, %mul3A_534 : i32
        %parallel_loop3A = arith.constant 0 : i32
        %parallel_loop3A_537 = arith.constant 128 : i32
        %parallel_loop3A_538 = arith.constant 1 : i32
        scf.for %parallel_loop3A_539 = %parallel_loop3A to %parallel_loop3A_537 step %parallel_loop3A_538  : i32 {
          %parallel_loop3A_540 = arith.constant 16 : i32
          %parallel_loop3A_541 = arith.muli %parallel_loop3A_539, %parallel_loop3A_540 : i32
          %parallel_loop3A_542 = arith.constant 5 : i32
          %parallel_loop3A_543 = arith.index_cast %parallel_loop3A_542 : i32 to index
          %parallel_loop3A_544 = arith.index_cast %add3A_536 : i32 to index
          %parallel_loop3A_545 = arith.index_cast %parallel_loop3A_541 : i32 to index
          %parallel_loop3A_546 = tpu.vector_load %arg6[%parallel_loop3A_543, %parallel_loop3A_544, %parallel_loop3A_545] {strides = array<i32>} : memref<6x8x2048xf32, #tpu.memory_space<vmem>>, vector<1x1x16xf32>,
          %parallel_loop3A_547 = vector.shape_cast %parallel_loop3A_546 : vector<1x1x16xf32> to vector<16xf32>
          %parallel_loop3A_548 = arith.constant 45.2548332 : f32
          %parallel_loop3A_549 = vector.broadcast %parallel_loop3A_548 : f32 to vector<16xf32>
          %parallel_loop3A_550 = arith.mulf %parallel_loop3A_547, %parallel_loop3A_549 : vector<16xf32>
          %parallel_loop3A_551 = arith.constant 5 : i32
          %parallel_loop3A_552 = arith.index_cast %parallel_loop3A_551 : i32 to index
          %parallel_loop3A_553 = arith.index_cast %add3A_536 : i32 to index
          %parallel_loop3A_554 = arith.index_cast %parallel_loop3A_541 : i32 to index
          %parallel_loop3A_555 = tpu.vector_load %arg6[%parallel_loop3A_552, %parallel_loop3A_553, %parallel_loop3A_554] {strides = array<i32>} : memref<6x8x2048xf32, #tpu.memory_space<vmem>>, vector<1x1x16xf32>,
          %parallel_loop3A_556 = vector.shape_cast %parallel_loop3A_555 : vector<1x1x16xf32> to vector<16xf32>
          %parallel_loop3A_557 = vector.shape_cast %parallel_loop3A_550 : vector<16xf32> to vector<1x1x16xf32>
          tpu.vector_store %arg6[%parallel_loop3A_552, %parallel_loop3A_553, %parallel_loop3A_554], %parallel_loop3A_557 {strides = array<i32>} : memref<6x8x2048xf32, #tpu.memory_space<vmem>>, vector<1x1x16xf32>,
        } {sc.loop_unroll_factor = 8 : i64, sc.parallel_access}
      }
      %scan3A_503 = arith.constant 8 : i32
      %mul3A_504 = arith.constant 8 : i32
      %mul3A_505 = arith.muli %add3A_487, %mul3A_504 : i32
      %add3A_506 = arith.addi %mul3A_2, %mul3A_505 : i32
      %dma_start3A_507 = arith.constant 5 : i32
      %dma_start3A_508 = arith.constant 0 : i32
      %dma_start3A_509 = arith.constant 0 : i32
      %dma_start3A_510 = tpu.memref_slice %arg6[%dma_start3A_507, %dma_start3A_508, %dma_start3A_509] : memref<6x8x2048xf32, #tpu.memory_space<vmem>> -> memref<1x8x2048xf32, #tpu.memory_space<vmem>>
      %dma_start3A_511 = tpu.memref_squeeze %dma_start3A_510 : memref<1x8x2048xf32, #tpu.memory_space<vmem>> -> memref<8x2048xf32, #tpu.memory_space<vmem>>
      %dma_start3A_512 = arith.constant 0 : i32
      %dma_start3A_513 = tpu.memref_slice %arg4[%add3A_506, %dma_start3A_512] : memref<16384x2048xf32, #tpu.memory_space<hbm>> -> memref<8x2048xf32, #tpu.memory_space<hbm>>
      %dma_start3A_514 = arith.constant 0 : i32
      %dma_start3A_515 = tpu.memref_slice %arg4[%add3A_506, %dma_start3A_514] : memref<16384x2048xf32, #tpu.memory_space<hbm>> -> memref<8x2048xf32, #tpu.memory_space<hbm>>
      %dma_start3A_516 = arith.constant 0 : i32
      %dma_start3A_517 = arith.constant 0 : i32
      %dma_start3A_518 = tpu.memref_slice %arg6[%dma_start3A_507, %dma_start3A_516, %dma_start3A_517] : memref<6x8x2048xf32, #tpu.memory_space<vmem>> -> memref<1x8x2048xf32, #tpu.memory_space<vmem>>
      %dma_start3A_519 = tpu.memref_squeeze %dma_start3A_518 : memref<1x8x2048xf32, #tpu.memory_space<vmem>> -> memref<8x2048xf32, #tpu.memory_space<vmem>>
      tpu.enqueue_dma source(%dma_start3A_519 : memref<8x2048xf32, #tpu.memory_space<vmem>>) target(%dma_start3A_515 : memref<8x2048xf32, #tpu.memory_space<hbm>>) target_semaphore(%arg18 : memref<!tpu.dma_semaphore, #tpu.memory_space<semaphore_mem>>)
      %ge3A_520 = arith.constant 2 : i32
      %ge3A_521 = arith.cmpi sge, %add3A_487, %ge3A_520 : i32
      %convert_element_type3A_522 = arith.extui %ge3A_521 : i1 to i32
      %cond3A_523 = arith.constant 0 : i32
      %cond3A_524 = arith.cmpi ne, %convert_element_type3A_522, %cond3A_523 : i32
      scf.if %cond3A_524 {
        %sub3A = arith.constant 2 : i32
        %sub3A_532 = arith.subi %add3A_487, %sub3A : i32
        %mul3A_533 = arith.constant 8 : i32
        %mul3A_534 = arith.muli %sub3A_532, %mul3A_533 : i32
        %add3A_535 = arith.addi %mul3A_2, %mul3A_534 : i32
        %dma_wait3A_536 = arith.constant 3 : i32
        %dma_wait3A_537 = arith.constant 0 : i32
        %dma_wait3A_538 = arith.constant 0 : i32
        %dma_wait3A_539 = tpu.memref_slice %arg6[%dma_wait3A_536, %dma_wait3A_537, %dma_wait3A_538] : memref<6x8x2048xf32, #tpu.memory_space<vmem>> -> memref<1x8x2048xf32, #tpu.memory_space<vmem>>
        %dma_wait3A_540 = tpu.memref_squeeze %dma_wait3A_539 : memref<1x8x2048xf32, #tpu.memory_space<vmem>> -> memref<8x2048xf32, #tpu.memory_space<vmem>>
        %dma_wait3A_541 = arith.constant 0 : i32
        %dma_wait3A_542 = tpu.memref_slice %arg4[%add3A_535, %dma_wait3A_541] : memref<16384x2048xf32, #tpu.memory_space<hbm>> -> memref<8x2048xf32, #tpu.memory_space<hbm>>
        %dma_wait3A_543 = arith.constant 0 : i32
        %dma_wait3A_544 = tpu.memref_slice %arg4[%add3A_535, %dma_wait3A_543] : memref<16384x2048xf32, #tpu.memory_space<hbm>> -> memref<8x2048xf32, #tpu.memory_space<hbm>>
        %dma_wait3A_545 = arith.constant 0 : i32
        %dma_wait3A_546 = arith.constant 0 : i32
        %dma_wait3A_547 = tpu.memref_slice %arg6[%dma_wait3A_536, %dma_wait3A_545, %dma_wait3A_546] : memref<6x8x2048xf32, #tpu.memory_space<vmem>> -> memref<1x8x2048xf32, #tpu.memory_space<vmem>>
        %dma_wait3A_548 = tpu.memref_squeeze %dma_wait3A_547 : memref<1x8x2048xf32, #tpu.memory_space<vmem>> -> memref<8x2048xf32, #tpu.memory_space<vmem>>
        tpu.wait_dma2 semaphore(%arg16 : memref<!tpu.dma_semaphore, #tpu.memory_space<semaphore_mem>>) src(%dma_wait3A_548 : memref<8x2048xf32, #tpu.memory_space<vmem>>) dst(%dma_wait3A_544 : memref<8x2048xf32, #tpu.memory_space<hbm>>)
      } else {
      }
      %add3A_525 = arith.constant 4 : i32
      %add3A_526 = arith.addi %add3A_487, %add3A_525 : i32
      %lt3A_527 = arith.constant 64 : i32
      %lt3A_528 = arith.cmpi slt, %add3A_526, %lt3A_527 : i32
      %convert_element_type3A_529 = arith.extui %lt3A_528 : i1 to i32
      %cond3A_530 = arith.constant 0 : i32
      %cond3A_531 = arith.cmpi ne, %convert_element_type3A_529, %cond3A_530 : i32
      scf.if %cond3A_531 {
        %add3A_532 = arith.constant 4 : i32
        %add3A_533 = arith.addi %add3A_487, %add3A_532 : i32
        %mul3A_534 = arith.constant 8 : i32
        %mul3A_535 = arith.muli %add3A_533, %mul3A_534 : i32
        %dma_start3A_536 = arith.constant 3 : i32
        %dma_start3A_537 = arith.constant 0 : i32
        %dma_start3A_538 = arith.constant 0 : i32
        %dma_start3A_539 = tpu.memref_slice %arg6[%dma_start3A_536, %dma_start3A_537, %dma_start3A_538] : memref<6x8x2048xf32, #tpu.memory_space<vmem>> -> memref<1x8x2048xf32, #tpu.memory_space<vmem>>
        %dma_start3A_540 = tpu.memref_squeeze %dma_start3A_539 : memref<1x8x2048xf32, #tpu.memory_space<vmem>> -> memref<8x2048xf32, #tpu.memory_space<vmem>>
        %dma_start3A_541 = tpu.memref_slice %arg5[%mul3A_535] : memref<512xi32, #tpu.memory_space<vmem>> -> memref<8xi32, #tpu.memory_space<vmem>>
        %dma_start3A_542 = arith.constant 0 : i32
        %dma_start3A_543 = arith.constant 0 : i32
        %dma_start3A_544 = tpu.memref_slice %arg3[%dma_start3A_542, %dma_start3A_543] : memref<100000x2048xf32, #tpu.memory_space<hbm>> -> memref<100000x2048xf32, #tpu.memory_space<hbm>>
        tpu.enqueue_indirect_dma source(%dma_start3A_544 : memref<100000x2048xf32, #tpu.memory_space<hbm>>) target(%dma_start3A_540 : memref<8x2048xf32, #tpu.memory_space<vmem>>) offsets(%dma_start3A_541 : memref<8xi32, #tpu.memory_space<vmem>>) semaphore(%arg10 : memref<!tpu.dma_semaphore, #tpu.memory_space<semaphore_mem>>)
      } else {
      }
    }
    %scan3A_45 = arith.constant 10 : i32
    %dma_wait3A = arith.constant 0 : i32
    %dma_wait3A_46 = arith.constant 0 : i32
    %dma_wait3A_47 = arith.constant 0 : i32
    %dma_wait3A_48 = tpu.memref_slice %arg6[%dma_wait3A, %dma_wait3A_46, %dma_wait3A_47] : memref<6x8x2048xf32, #tpu.memory_space<vmem>> -> memref<1x8x2048xf32, #tpu.memory_space<vmem>>
    %dma_wait3A_49 = tpu.memref_squeeze %dma_wait3A_48 : memref<1x8x2048xf32, #tpu.memory_space<vmem>> -> memref<8x2048xf32, #tpu.memory_space<vmem>>
    %dma_wait3A_50 = arith.constant 480 : i32
    %dma_wait3A_51 = tpu.memref_slice %arg5[%dma_wait3A_50] : memref<512xi32, #tpu.memory_space<vmem>> -> memref<8xi32, #tpu.memory_space<vmem>>
    %dma_wait3A_52 = arith.constant 0 : i32
    %dma_wait3A_53 = arith.constant 0 : i32
    %dma_wait3A_54 = tpu.memref_slice %arg3[%dma_wait3A_52, %dma_wait3A_53] : memref<100000x2048xf32, #tpu.memory_space<hbm>> -> memref<100000x2048xf32, #tpu.memory_space<hbm>>
    tpu.wait_indirect_dma semaphore(%arg7 : memref<!tpu.dma_semaphore, #tpu.memory_space<semaphore_mem>>) src(%dma_wait3A_54 : memref<100000x2048xf32, #tpu.memory_space<hbm>>) dst(%dma_wait3A_49 : memref<8x2048xf32, #tpu.memory_space<vmem>>)
    %scan3A_55 = arith.constant 0 : i32
    %scan3A_56 = arith.constant 8 : i32
    %scan3A_57 = arith.addi %scan3A_55, %scan3A_56 : i32
    %scan3A_58 = arith.constant 1 : i32
    scf.for %scan3A_255 = %scan3A_55 to %scan3A_57 step %scan3A_58  : i32 {
      %mul3A_256 = arith.constant 1 : i32
      %mul3A_257 = arith.muli %scan3A_255, %mul3A_256 : i32
      %add3A_258 = arith.constant 0 : i32
      %add3A_259 = arith.addi %add3A_258, %mul3A_257 : i32
      %parallel_loop3A = arith.constant 0 : i32
      %parallel_loop3A_260 = arith.constant 128 : i32
      %parallel_loop3A_261 = arith.constant 1 : i32
      scf.for %parallel_loop3A_262 = %parallel_loop3A to %parallel_loop3A_260 step %parallel_loop3A_261  : i32 {
        %parallel_loop3A_263 = arith.constant 16 : i32
        %parallel_loop3A_264 = arith.muli %parallel_loop3A_262, %parallel_loop3A_263 : i32
        %parallel_loop3A_265 = arith.constant 0 : i32
        %parallel_loop3A_266 = arith.index_cast %parallel_loop3A_265 : i32 to index
        %parallel_loop3A_267 = arith.index_cast %add3A_259 : i32 to index
        %parallel_loop3A_268 = arith.index_cast %parallel_loop3A_264 : i32 to index
        %parallel_loop3A_269 = tpu.vector_load %arg6[%parallel_loop3A_266, %parallel_loop3A_267, %parallel_loop3A_268] {strides = array<i32>} : memref<6x8x2048xf32, #tpu.memory_space<vmem>>, vector<1x1x16xf32>,
        %parallel_loop3A_270 = vector.shape_cast %parallel_loop3A_269 : vector<1x1x16xf32> to vector<16xf32>
        %parallel_loop3A_271 = arith.constant 45.2548332 : f32
        %parallel_loop3A_272 = vector.broadcast %parallel_loop3A_271 : f32 to vector<16xf32>
        %parallel_loop3A_273 = arith.mulf %parallel_loop3A_270, %parallel_loop3A_272 : vector<16xf32>
        %parallel_loop3A_274 = arith.constant 0 : i32
        %parallel_loop3A_275 = arith.index_cast %parallel_loop3A_274 : i32 to index
        %parallel_loop3A_276 = arith.index_cast %add3A_259 : i32 to index
        %parallel_loop3A_277 = arith.index_cast %parallel_loop3A_264 : i32 to index
        %parallel_loop3A_278 = tpu.vector_load %arg6[%parallel_loop3A_275, %parallel_loop3A_276, %parallel_loop3A_277] {strides = array<i32>} : memref<6x8x2048xf32, #tpu.memory_space<vmem>>, vector<1x1x16xf32>,
        %parallel_loop3A_279 = vector.shape_cast %parallel_loop3A_278 : vector<1x1x16xf32> to vector<16xf32>
        %parallel_loop3A_280 = vector.shape_cast %parallel_loop3A_273 : vector<16xf32> to vector<1x1x16xf32>
        tpu.vector_store %arg6[%parallel_loop3A_275, %parallel_loop3A_276, %parallel_loop3A_277], %parallel_loop3A_280 {strides = array<i32>} : memref<6x8x2048xf32, #tpu.memory_space<vmem>>, vector<1x1x16xf32>,
      } {sc.loop_unroll_factor = 8 : i64, sc.parallel_access}
    }
    %scan3A_59 = arith.constant 8 : i32
    %add3A_60 = arith.constant 480 : i32
    %add3A_61 = arith.addi %mul3A_2, %add3A_60 : i32
    %dma_start3A_62 = arith.constant 0 : i32
    %dma_start3A_63 = arith.constant 0 : i32
    %dma_start3A_64 = arith.constant 0 : i32
    %dma_start3A_65 = tpu.memref_slice %arg6[%dma_start3A_62, %dma_start3A_63, %dma_start3A_64] : memref<6x8x2048xf32, #tpu.memory_space<vmem>> -> memref<1x8x2048xf32, #tpu.memory_space<vmem>>
    %dma_start3A_66 = tpu.memref_squeeze %dma_start3A_65 : memref<1x8x2048xf32, #tpu.memory_space<vmem>> -> memref<8x2048xf32, #tpu.memory_space<vmem>>
    %dma_start3A_67 = arith.constant 0 : i32
    %dma_start3A_68 = tpu.memref_slice %arg4[%add3A_61, %dma_start3A_67] : memref<16384x2048xf32, #tpu.memory_space<hbm>> -> memref<8x2048xf32, #tpu.memory_space<hbm>>
    %dma_start3A_69 = arith.constant 0 : i32
    %dma_start3A_70 = tpu.memref_slice %arg4[%add3A_61, %dma_start3A_69] : memref<16384x2048xf32, #tpu.memory_space<hbm>> -> memref<8x2048xf32, #tpu.memory_space<hbm>>
    %dma_start3A_71 = arith.constant 0 : i32
    %dma_start3A_72 = arith.constant 0 : i32
    %dma_start3A_73 = tpu.memref_slice %arg6[%dma_start3A_62, %dma_start3A_71, %dma_start3A_72] : memref<6x8x2048xf32, #tpu.memory_space<vmem>> -> memref<1x8x2048xf32, #tpu.memory_space<vmem>>
    %dma_start3A_74 = tpu.memref_squeeze %dma_start3A_73 : memref<1x8x2048xf32, #tpu.memory_space<vmem>> -> memref<8x2048xf32, #tpu.memory_space<vmem>>
    tpu.enqueue_dma source(%dma_start3A_74 : memref<8x2048xf32, #tpu.memory_space<vmem>>) target(%dma_start3A_70 : memref<8x2048xf32, #tpu.memory_space<hbm>>) target_semaphore(%arg13 : memref<!tpu.dma_semaphore, #tpu.memory_space<semaphore_mem>>)
    %add3A_75 = arith.constant 464 : i32
    %add3A_76 = arith.addi %mul3A_2, %add3A_75 : i32
    %dma_wait3A_77 = arith.constant 4 : i32
    %dma_wait3A_78 = arith.constant 0 : i32
    %dma_wait3A_79 = arith.constant 0 : i32
    %dma_wait3A_80 = tpu.memref_slice %arg6[%dma_wait3A_77, %dma_wait3A_78, %dma_wait3A_79] : memref<6x8x2048xf32, #tpu.memory_space<vmem>> -> memref<1x8x2048xf32, #tpu.memory_space<vmem>>
    %dma_wait3A_81 = tpu.memref_squeeze %dma_wait3A_80 : memref<1x8x2048xf32, #tpu.memory_space<vmem>> -> memref<8x2048xf32, #tpu.memory_space<vmem>>
    %dma_wait3A_82 = arith.constant 0 : i32
    %dma_wait3A_83 = tpu.memref_slice %arg4[%add3A_76, %dma_wait3A_82] : memref<16384x2048xf32, #tpu.memory_space<hbm>> -> memref<8x2048xf32, #tpu.memory_space<hbm>>
    %dma_wait3A_84 = arith.constant 0 : i32
    %dma_wait3A_85 = tpu.memref_slice %arg4[%add3A_76, %dma_wait3A_84] : memref<16384x2048xf32, #tpu.memory_space<hbm>> -> memref<8x2048xf32, #tpu.memory_space<hbm>>
    %dma_wait3A_86 = arith.constant 0 : i32
    %dma_wait3A_87 = arith.constant 0 : i32
    %dma_wait3A_88 = tpu.memref_slice %arg6[%dma_wait3A_77, %dma_wait3A_86, %dma_wait3A_87] : memref<6x8x2048xf32, #tpu.memory_space<vmem>> -> memref<1x8x2048xf32, #tpu.memory_space<vmem>>
    %dma_wait3A_89 = tpu.memref_squeeze %dma_wait3A_88 : memref<1x8x2048xf32, #tpu.memory_space<vmem>> -> memref<8x2048xf32, #tpu.memory_space<vmem>>
    tpu.wait_dma2 semaphore(%arg17 : memref<!tpu.dma_semaphore, #tpu.memory_space<semaphore_mem>>) src(%dma_wait3A_89 : memref<8x2048xf32, #tpu.memory_space<vmem>>) dst(%dma_wait3A_85 : memref<8x2048xf32, #tpu.memory_space<hbm>>)
    %dma_wait3A_90 = arith.constant 1 : i32
    %dma_wait3A_91 = arith.constant 0 : i32
    %dma_wait3A_92 = arith.constant 0 : i32
    %dma_wait3A_93 = tpu.memref_slice %arg6[%dma_wait3A_90, %dma_wait3A_91, %dma_wait3A_92] : memref<6x8x2048xf32, #tpu.memory_space<vmem>> -> memref<1x8x2048xf32, #tpu.memory_space<vmem>>
    %dma_wait3A_94 = tpu.memref_squeeze %dma_wait3A_93 : memref<1x8x2048xf32, #tpu.memory_space<vmem>> -> memref<8x2048xf32, #tpu.memory_space<vmem>>
    %dma_wait3A_95 = arith.constant 488 : i32
    %dma_wait3A_96 = tpu.memref_slice %arg5[%dma_wait3A_95] : memref<512xi32, #tpu.memory_space<vmem>> -> memref<8xi32, #tpu.memory_space<vmem>>
    %dma_wait3A_97 = arith.constant 0 : i32
    %dma_wait3A_98 = arith.constant 0 : i32
    %dma_wait3A_99 = tpu.memref_slice %arg3[%dma_wait3A_97, %dma_wait3A_98] : memref<100000x2048xf32, #tpu.memory_space<hbm>> -> memref<100000x2048xf32, #tpu.memory_space<hbm>>
    tpu.wait_indirect_dma semaphore(%arg8 : memref<!tpu.dma_semaphore, #tpu.memory_space<semaphore_mem>>) src(%dma_wait3A_99 : memref<100000x2048xf32, #tpu.memory_space<hbm>>) dst(%dma_wait3A_94 : memref<8x2048xf32, #tpu.memory_space<vmem>>)
    %scan3A_100 = arith.constant 0 : i32
    %scan3A_101 = arith.constant 8 : i32
    %scan3A_102 = arith.addi %scan3A_100, %scan3A_101 : i32
    %scan3A_103 = arith.constant 1 : i32
    scf.for %scan3A_255 = %scan3A_100 to %scan3A_102 step %scan3A_103  : i32 {
      %mul3A_256 = arith.constant 1 : i32
      %mul3A_257 = arith.muli %scan3A_255, %mul3A_256 : i32
      %add3A_258 = arith.constant 0 : i32
      %add3A_259 = arith.addi %add3A_258, %mul3A_257 : i32
      %parallel_loop3A = arith.constant 0 : i32
      %parallel_loop3A_260 = arith.constant 128 : i32
      %parallel_loop3A_261 = arith.constant 1 : i32
      scf.for %parallel_loop3A_262 = %parallel_loop3A to %parallel_loop3A_260 step %parallel_loop3A_261  : i32 {
        %parallel_loop3A_263 = arith.constant 16 : i32
        %parallel_loop3A_264 = arith.muli %parallel_loop3A_262, %parallel_loop3A_263 : i32
        %parallel_loop3A_265 = arith.constant 1 : i32
        %parallel_loop3A_266 = arith.index_cast %parallel_loop3A_265 : i32 to index
        %parallel_loop3A_267 = arith.index_cast %add3A_259 : i32 to index
        %parallel_loop3A_268 = arith.index_cast %parallel_loop3A_264 : i32 to index
        %parallel_loop3A_269 = tpu.vector_load %arg6[%parallel_loop3A_266, %parallel_loop3A_267, %parallel_loop3A_268] {strides = array<i32>} : memref<6x8x2048xf32, #tpu.memory_space<vmem>>, vector<1x1x16xf32>,
        %parallel_loop3A_270 = vector.shape_cast %parallel_loop3A_269 : vector<1x1x16xf32> to vector<16xf32>
        %parallel_loop3A_271 = arith.constant 45.2548332 : f32
        %parallel_loop3A_272 = vector.broadcast %parallel_loop3A_271 : f32 to vector<16xf32>
        %parallel_loop3A_273 = arith.mulf %parallel_loop3A_270, %parallel_loop3A_272 : vector<16xf32>
        %parallel_loop3A_274 = arith.constant 1 : i32
        %parallel_loop3A_275 = arith.index_cast %parallel_loop3A_274 : i32 to index
        %parallel_loop3A_276 = arith.index_cast %add3A_259 : i32 to index
        %parallel_loop3A_277 = arith.index_cast %parallel_loop3A_264 : i32 to index
        %parallel_loop3A_278 = tpu.vector_load %arg6[%parallel_loop3A_275, %parallel_loop3A_276, %parallel_loop3A_277] {strides = array<i32>} : memref<6x8x2048xf32, #tpu.memory_space<vmem>>, vector<1x1x16xf32>,
        %parallel_loop3A_279 = vector.shape_cast %parallel_loop3A_278 : vector<1x1x16xf32> to vector<16xf32>
        %parallel_loop3A_280 = vector.shape_cast %parallel_loop3A_273 : vector<16xf32> to vector<1x1x16xf32>
        tpu.vector_store %arg6[%parallel_loop3A_275, %parallel_loop3A_276, %parallel_loop3A_277], %parallel_loop3A_280 {strides = array<i32>} : memref<6x8x2048xf32, #tpu.memory_space<vmem>>, vector<1x1x16xf32>,
      } {sc.loop_unroll_factor = 8 : i64, sc.parallel_access}
    }
    %scan3A_104 = arith.constant 8 : i32
    %add3A_105 = arith.constant 488 : i32
    %add3A_106 = arith.addi %mul3A_2, %add3A_105 : i32
    %dma_start3A_107 = arith.constant 1 : i32
    %dma_start3A_108 = arith.constant 0 : i32
    %dma_start3A_109 = arith.constant 0 : i32
    %dma_start3A_110 = tpu.memref_slice %arg6[%dma_start3A_107, %dma_start3A_108, %dma_start3A_109] : memref<6x8x2048xf32, #tpu.memory_space<vmem>> -> memref<1x8x2048xf32, #tpu.memory_space<vmem>>
    %dma_start3A_111 = tpu.memref_squeeze %dma_start3A_110 : memref<1x8x2048xf32, #tpu.memory_space<vmem>> -> memref<8x2048xf32, #tpu.memory_space<vmem>>
    %dma_start3A_112 = arith.constant 0 : i32
    %dma_start3A_113 = tpu.memref_slice %arg4[%add3A_106, %dma_start3A_112] : memref<16384x2048xf32, #tpu.memory_space<hbm>> -> memref<8x2048xf32, #tpu.memory_space<hbm>>
    %dma_start3A_114 = arith.constant 0 : i32
    %dma_start3A_115 = tpu.memref_slice %arg4[%add3A_106, %dma_start3A_114] : memref<16384x2048xf32, #tpu.memory_space<hbm>> -> memref<8x2048xf32, #tpu.memory_space<hbm>>
    %dma_start3A_116 = arith.constant 0 : i32
    %dma_start3A_117 = arith.constant 0 : i32
    %dma_start3A_118 = tpu.memref_slice %arg6[%dma_start3A_107, %dma_start3A_116, %dma_start3A_117] : memref<6x8x2048xf32, #tpu.memory_space<vmem>> -> memref<1x8x2048xf32, #tpu.memory_space<vmem>>
    %dma_start3A_119 = tpu.memref_squeeze %dma_start3A_118 : memref<1x8x2048xf32, #tpu.memory_space<vmem>> -> memref<8x2048xf32, #tpu.memory_space<vmem>>
    tpu.enqueue_dma source(%dma_start3A_119 : memref<8x2048xf32, #tpu.memory_space<vmem>>) target(%dma_start3A_115 : memref<8x2048xf32, #tpu.memory_space<hbm>>) target_semaphore(%arg14 : memref<!tpu.dma_semaphore, #tpu.memory_space<semaphore_mem>>)
    %add3A_120 = arith.constant 472 : i32
    %add3A_121 = arith.addi %mul3A_2, %add3A_120 : i32
    %dma_wait3A_122 = arith.constant 5 : i32
    %dma_wait3A_123 = arith.constant 0 : i32
    %dma_wait3A_124 = arith.constant 0 : i32
    %dma_wait3A_125 = tpu.memref_slice %arg6[%dma_wait3A_122, %dma_wait3A_123, %dma_wait3A_124] : memref<6x8x2048xf32, #tpu.memory_space<vmem>> -> memref<1x8x2048xf32, #tpu.memory_space<vmem>>
    %dma_wait3A_126 = tpu.memref_squeeze %dma_wait3A_125 : memref<1x8x2048xf32, #tpu.memory_space<vmem>> -> memref<8x2048xf32, #tpu.memory_space<vmem>>
    %dma_wait3A_127 = arith.constant 0 : i32
    %dma_wait3A_128 = tpu.memref_slice %arg4[%add3A_121, %dma_wait3A_127] : memref<16384x2048xf32, #tpu.memory_space<hbm>> -> memref<8x2048xf32, #tpu.memory_space<hbm>>
    %dma_wait3A_129 = arith.constant 0 : i32
    %dma_wait3A_130 = tpu.memref_slice %arg4[%add3A_121, %dma_wait3A_129] : memref<16384x2048xf32, #tpu.memory_space<hbm>> -> memref<8x2048xf32, #tpu.memory_space<hbm>>
    %dma_wait3A_131 = arith.constant 0 : i32
    %dma_wait3A_132 = arith.constant 0 : i32
    %dma_wait3A_133 = tpu.memref_slice %arg6[%dma_wait3A_122, %dma_wait3A_131, %dma_wait3A_132] : memref<6x8x2048xf32, #tpu.memory_space<vmem>> -> memref<1x8x2048xf32, #tpu.memory_space<vmem>>
    %dma_wait3A_134 = tpu.memref_squeeze %dma_wait3A_133 : memref<1x8x2048xf32, #tpu.memory_space<vmem>> -> memref<8x2048xf32, #tpu.memory_space<vmem>>
    tpu.wait_dma2 semaphore(%arg18 : memref<!tpu.dma_semaphore, #tpu.memory_space<semaphore_mem>>) src(%dma_wait3A_134 : memref<8x2048xf32, #tpu.memory_space<vmem>>) dst(%dma_wait3A_130 : memref<8x2048xf32, #tpu.memory_space<hbm>>)
    %dma_wait3A_135 = arith.constant 2 : i32
    %dma_wait3A_136 = arith.constant 0 : i32
    %dma_wait3A_137 = arith.constant 0 : i32
    %dma_wait3A_138 = tpu.memref_slice %arg6[%dma_wait3A_135, %dma_wait3A_136, %dma_wait3A_137] : memref<6x8x2048xf32, #tpu.memory_space<vmem>> -> memref<1x8x2048xf32, #tpu.memory_space<vmem>>
    %dma_wait3A_139 = tpu.memref_squeeze %dma_wait3A_138 : memref<1x8x2048xf32, #tpu.memory_space<vmem>> -> memref<8x2048xf32, #tpu.memory_space<vmem>>
    %dma_wait3A_140 = arith.constant 496 : i32
    %dma_wait3A_141 = tpu.memref_slice %arg5[%dma_wait3A_140] : memref<512xi32, #tpu.memory_space<vmem>> -> memref<8xi32, #tpu.memory_space<vmem>>
    %dma_wait3A_142 = arith.constant 0 : i32
    %dma_wait3A_143 = arith.constant 0 : i32
    %dma_wait3A_144 = tpu.memref_slice %arg3[%dma_wait3A_142, %dma_wait3A_143] : memref<100000x2048xf32, #tpu.memory_space<hbm>> -> memref<100000x2048xf32, #tpu.memory_space<hbm>>
    tpu.wait_indirect_dma semaphore(%arg9 : memref<!tpu.dma_semaphore, #tpu.memory_space<semaphore_mem>>) src(%dma_wait3A_144 : memref<100000x2048xf32, #tpu.memory_space<hbm>>) dst(%dma_wait3A_139 : memref<8x2048xf32, #tpu.memory_space<vmem>>)
    %scan3A_145 = arith.constant 0 : i32
    %scan3A_146 = arith.constant 8 : i32
    %scan3A_147 = arith.addi %scan3A_145, %scan3A_146 : i32
    %scan3A_148 = arith.constant 1 : i32
    scf.for %scan3A_255 = %scan3A_145 to %scan3A_147 step %scan3A_148  : i32 {
      %mul3A_256 = arith.constant 1 : i32
      %mul3A_257 = arith.muli %scan3A_255, %mul3A_256 : i32
      %add3A_258 = arith.constant 0 : i32
      %add3A_259 = arith.addi %add3A_258, %mul3A_257 : i32
      %parallel_loop3A = arith.constant 0 : i32
      %parallel_loop3A_260 = arith.constant 128 : i32
      %parallel_loop3A_261 = arith.constant 1 : i32
      scf.for %parallel_loop3A_262 = %parallel_loop3A to %parallel_loop3A_260 step %parallel_loop3A_261  : i32 {
        %parallel_loop3A_263 = arith.constant 16 : i32
        %parallel_loop3A_264 = arith.muli %parallel_loop3A_262, %parallel_loop3A_263 : i32
        %parallel_loop3A_265 = arith.constant 2 : i32
        %parallel_loop3A_266 = arith.index_cast %parallel_loop3A_265 : i32 to index
        %parallel_loop3A_267 = arith.index_cast %add3A_259 : i32 to index
        %parallel_loop3A_268 = arith.index_cast %parallel_loop3A_264 : i32 to index
        %parallel_loop3A_269 = tpu.vector_load %arg6[%parallel_loop3A_266, %parallel_loop3A_267, %parallel_loop3A_268] {strides = array<i32>} : memref<6x8x2048xf32, #tpu.memory_space<vmem>>, vector<1x1x16xf32>,
        %parallel_loop3A_270 = vector.shape_cast %parallel_loop3A_269 : vector<1x1x16xf32> to vector<16xf32>
        %parallel_loop3A_271 = arith.constant 45.2548332 : f32
        %parallel_loop3A_272 = vector.broadcast %parallel_loop3A_271 : f32 to vector<16xf32>
        %parallel_loop3A_273 = arith.mulf %parallel_loop3A_270, %parallel_loop3A_272 : vector<16xf32>
        %parallel_loop3A_274 = arith.constant 2 : i32
        %parallel_loop3A_275 = arith.index_cast %parallel_loop3A_274 : i32 to index
        %parallel_loop3A_276 = arith.index_cast %add3A_259 : i32 to index
        %parallel_loop3A_277 = arith.index_cast %parallel_loop3A_264 : i32 to index
        %parallel_loop3A_278 = tpu.vector_load %arg6[%parallel_loop3A_275, %parallel_loop3A_276, %parallel_loop3A_277] {strides = array<i32>} : memref<6x8x2048xf32, #tpu.memory_space<vmem>>, vector<1x1x16xf32>,
        %parallel_loop3A_279 = vector.shape_cast %parallel_loop3A_278 : vector<1x1x16xf32> to vector<16xf32>
        %parallel_loop3A_280 = vector.shape_cast %parallel_loop3A_273 : vector<16xf32> to vector<1x1x16xf32>
        tpu.vector_store %arg6[%parallel_loop3A_275, %parallel_loop3A_276, %parallel_loop3A_277], %parallel_loop3A_280 {strides = array<i32>} : memref<6x8x2048xf32, #tpu.memory_space<vmem>>, vector<1x1x16xf32>,
      } {sc.loop_unroll_factor = 8 : i64, sc.parallel_access}
    }
    %scan3A_149 = arith.constant 8 : i32
    %add3A_150 = arith.constant 496 : i32
    %add3A_151 = arith.addi %mul3A_2, %add3A_150 : i32
    %dma_start3A_152 = arith.constant 2 : i32
    %dma_start3A_153 = arith.constant 0 : i32
    %dma_start3A_154 = arith.constant 0 : i32
    %dma_start3A_155 = tpu.memref_slice %arg6[%dma_start3A_152, %dma_start3A_153, %dma_start3A_154] : memref<6x8x2048xf32, #tpu.memory_space<vmem>> -> memref<1x8x2048xf32, #tpu.memory_space<vmem>>
    %dma_start3A_156 = tpu.memref_squeeze %dma_start3A_155 : memref<1x8x2048xf32, #tpu.memory_space<vmem>> -> memref<8x2048xf32, #tpu.memory_space<vmem>>
    %dma_start3A_157 = arith.constant 0 : i32
    %dma_start3A_158 = tpu.memref_slice %arg4[%add3A_151, %dma_start3A_157] : memref<16384x2048xf32, #tpu.memory_space<hbm>> -> memref<8x2048xf32, #tpu.memory_space<hbm>>
    %dma_start3A_159 = arith.constant 0 : i32
    %dma_start3A_160 = tpu.memref_slice %arg4[%add3A_151, %dma_start3A_159] : memref<16384x2048xf32, #tpu.memory_space<hbm>> -> memref<8x2048xf32, #tpu.memory_space<hbm>>
    %dma_start3A_161 = arith.constant 0 : i32
    %dma_start3A_162 = arith.constant 0 : i32
    %dma_start3A_163 = tpu.memref_slice %arg6[%dma_start3A_152, %dma_start3A_161, %dma_start3A_162] : memref<6x8x2048xf32, #tpu.memory_space<vmem>> -> memref<1x8x2048xf32, #tpu.memory_space<vmem>>
    %dma_start3A_164 = tpu.memref_squeeze %dma_start3A_163 : memref<1x8x2048xf32, #tpu.memory_space<vmem>> -> memref<8x2048xf32, #tpu.memory_space<vmem>>
    tpu.enqueue_dma source(%dma_start3A_164 : memref<8x2048xf32, #tpu.memory_space<vmem>>) target(%dma_start3A_160 : memref<8x2048xf32, #tpu.memory_space<hbm>>) target_semaphore(%arg15 : memref<!tpu.dma_semaphore, #tpu.memory_space<semaphore_mem>>)
    %add3A_165 = arith.constant 480 : i32
    %add3A_166 = arith.addi %mul3A_2, %add3A_165 : i32
    %dma_wait3A_167 = arith.constant 0 : i32
    %dma_wait3A_168 = arith.constant 0 : i32
    %dma_wait3A_169 = arith.constant 0 : i32
    %dma_wait3A_170 = tpu.memref_slice %arg6[%dma_wait3A_167, %dma_wait3A_168, %dma_wait3A_169] : memref<6x8x2048xf32, #tpu.memory_space<vmem>> -> memref<1x8x2048xf32, #tpu.memory_space<vmem>>
    %dma_wait3A_171 = tpu.memref_squeeze %dma_wait3A_170 : memref<1x8x2048xf32, #tpu.memory_space<vmem>> -> memref<8x2048xf32, #tpu.memory_space<vmem>>
    %dma_wait3A_172 = arith.constant 0 : i32
    %dma_wait3A_173 = tpu.memref_slice %arg4[%add3A_166, %dma_wait3A_172] : memref<16384x2048xf32, #tpu.memory_space<hbm>> -> memref<8x2048xf32, #tpu.memory_space<hbm>>
    %dma_wait3A_174 = arith.constant 0 : i32
    %dma_wait3A_175 = tpu.memref_slice %arg4[%add3A_166, %dma_wait3A_174] : memref<16384x2048xf32, #tpu.memory_space<hbm>> -> memref<8x2048xf32, #tpu.memory_space<hbm>>
    %dma_wait3A_176 = arith.constant 0 : i32
    %dma_wait3A_177 = arith.constant 0 : i32
    %dma_wait3A_178 = tpu.memref_slice %arg6[%dma_wait3A_167, %dma_wait3A_176, %dma_wait3A_177] : memref<6x8x2048xf32, #tpu.memory_space<vmem>> -> memref<1x8x2048xf32, #tpu.memory_space<vmem>>
    %dma_wait3A_179 = tpu.memref_squeeze %dma_wait3A_178 : memref<1x8x2048xf32, #tpu.memory_space<vmem>> -> memref<8x2048xf32, #tpu.memory_space<vmem>>
    tpu.wait_dma2 semaphore(%arg13 : memref<!tpu.dma_semaphore, #tpu.memory_space<semaphore_mem>>) src(%dma_wait3A_179 : memref<8x2048xf32, #tpu.memory_space<vmem>>) dst(%dma_wait3A_175 : memref<8x2048xf32, #tpu.memory_space<hbm>>)
    %dma_wait3A_180 = arith.constant 3 : i32
    %dma_wait3A_181 = arith.constant 0 : i32
    %dma_wait3A_182 = arith.constant 0 : i32
    %dma_wait3A_183 = tpu.memref_slice %arg6[%dma_wait3A_180, %dma_wait3A_181, %dma_wait3A_182] : memref<6x8x2048xf32, #tpu.memory_space<vmem>> -> memref<1x8x2048xf32, #tpu.memory_space<vmem>>
    %dma_wait3A_184 = tpu.memref_squeeze %dma_wait3A_183 : memref<1x8x2048xf32, #tpu.memory_space<vmem>> -> memref<8x2048xf32, #tpu.memory_space<vmem>>
    %dma_wait3A_185 = arith.constant 504 : i32
    %dma_wait3A_186 = tpu.memref_slice %arg5[%dma_wait3A_185] : memref<512xi32, #tpu.memory_space<vmem>> -> memref<8xi32, #tpu.memory_space<vmem>>
    %dma_wait3A_187 = arith.constant 0 : i32
    %dma_wait3A_188 = arith.constant 0 : i32
    %dma_wait3A_189 = tpu.memref_slice %arg3[%dma_wait3A_187, %dma_wait3A_188] : memref<100000x2048xf32, #tpu.memory_space<hbm>> -> memref<100000x2048xf32, #tpu.memory_space<hbm>>
    tpu.wait_indirect_dma semaphore(%arg10 : memref<!tpu.dma_semaphore, #tpu.memory_space<semaphore_mem>>) src(%dma_wait3A_189 : memref<100000x2048xf32, #tpu.memory_space<hbm>>) dst(%dma_wait3A_184 : memref<8x2048xf32, #tpu.memory_space<vmem>>)
    %scan3A_190 = arith.constant 0 : i32
    %scan3A_191 = arith.constant 8 : i32
    %scan3A_192 = arith.addi %scan3A_190, %scan3A_191 : i32
    %scan3A_193 = arith.constant 1 : i32
    scf.for %scan3A_255 = %scan3A_190 to %scan3A_192 step %scan3A_193  : i32 {
      %mul3A_256 = arith.constant 1 : i32
      %mul3A_257 = arith.muli %scan3A_255, %mul3A_256 : i32
      %add3A_258 = arith.constant 0 : i32
      %add3A_259 = arith.addi %add3A_258, %mul3A_257 : i32
      %parallel_loop3A = arith.constant 0 : i32
      %parallel_loop3A_260 = arith.constant 128 : i32
      %parallel_loop3A_261 = arith.constant 1 : i32
      scf.for %parallel_loop3A_262 = %parallel_loop3A to %parallel_loop3A_260 step %parallel_loop3A_261  : i32 {
        %parallel_loop3A_263 = arith.constant 16 : i32
        %parallel_loop3A_264 = arith.muli %parallel_loop3A_262, %parallel_loop3A_263 : i32
        %parallel_loop3A_265 = arith.constant 3 : i32
        %parallel_loop3A_266 = arith.index_cast %parallel_loop3A_265 : i32 to index
        %parallel_loop3A_267 = arith.index_cast %add3A_259 : i32 to index
        %parallel_loop3A_268 = arith.index_cast %parallel_loop3A_264 : i32 to index
        %parallel_loop3A_269 = tpu.vector_load %arg6[%parallel_loop3A_266, %parallel_loop3A_267, %parallel_loop3A_268] {strides = array<i32>} : memref<6x8x2048xf32, #tpu.memory_space<vmem>>, vector<1x1x16xf32>,
        %parallel_loop3A_270 = vector.shape_cast %parallel_loop3A_269 : vector<1x1x16xf32> to vector<16xf32>
        %parallel_loop3A_271 = arith.constant 45.2548332 : f32
        %parallel_loop3A_272 = vector.broadcast %parallel_loop3A_271 : f32 to vector<16xf32>
        %parallel_loop3A_273 = arith.mulf %parallel_loop3A_270, %parallel_loop3A_272 : vector<16xf32>
        %parallel_loop3A_274 = arith.constant 3 : i32
        %parallel_loop3A_275 = arith.index_cast %parallel_loop3A_274 : i32 to index
        %parallel_loop3A_276 = arith.index_cast %add3A_259 : i32 to index
        %parallel_loop3A_277 = arith.index_cast %parallel_loop3A_264 : i32 to index
        %parallel_loop3A_278 = tpu.vector_load %arg6[%parallel_loop3A_275, %parallel_loop3A_276, %parallel_loop3A_277] {strides = array<i32>} : memref<6x8x2048xf32, #tpu.memory_space<vmem>>, vector<1x1x16xf32>,
        %parallel_loop3A_279 = vector.shape_cast %parallel_loop3A_278 : vector<1x1x16xf32> to vector<16xf32>
        %parallel_loop3A_280 = vector.shape_cast %parallel_loop3A_273 : vector<16xf32> to vector<1x1x16xf32>
        tpu.vector_store %arg6[%parallel_loop3A_275, %parallel_loop3A_276, %parallel_loop3A_277], %parallel_loop3A_280 {strides = array<i32>} : memref<6x8x2048xf32, #tpu.memory_space<vmem>>, vector<1x1x16xf32>,
      } {sc.loop_unroll_factor = 8 : i64, sc.parallel_access}
    }
    %scan3A_194 = arith.constant 8 : i32
    %add3A_195 = arith.constant 504 : i32
    %add3A_196 = arith.addi %mul3A_2, %add3A_195 : i32
    %dma_start3A_197 = arith.constant 3 : i32
    %dma_start3A_198 = arith.constant 0 : i32
    %dma_start3A_199 = arith.constant 0 : i32
    %dma_start3A_200 = tpu.memref_slice %arg6[%dma_start3A_197, %dma_start3A_198, %dma_start3A_199] : memref<6x8x2048xf32, #tpu.memory_space<vmem>> -> memref<1x8x2048xf32, #tpu.memory_space<vmem>>
    %dma_start3A_201 = tpu.memref_squeeze %dma_start3A_200 : memref<1x8x2048xf32, #tpu.memory_space<vmem>> -> memref<8x2048xf32, #tpu.memory_space<vmem>>
    %dma_start3A_202 = arith.constant 0 : i32
    %dma_start3A_203 = tpu.memref_slice %arg4[%add3A_196, %dma_start3A_202] : memref<16384x2048xf32, #tpu.memory_space<hbm>> -> memref<8x2048xf32, #tpu.memory_space<hbm>>
    %dma_start3A_204 = arith.constant 0 : i32
    %dma_start3A_205 = tpu.memref_slice %arg4[%add3A_196, %dma_start3A_204] : memref<16384x2048xf32, #tpu.memory_space<hbm>> -> memref<8x2048xf32, #tpu.memory_space<hbm>>
    %dma_start3A_206 = arith.constant 0 : i32
    %dma_start3A_207 = arith.constant 0 : i32
    %dma_start3A_208 = tpu.memref_slice %arg6[%dma_start3A_197, %dma_start3A_206, %dma_start3A_207] : memref<6x8x2048xf32, #tpu.memory_space<vmem>> -> memref<1x8x2048xf32, #tpu.memory_space<vmem>>
    %dma_start3A_209 = tpu.memref_squeeze %dma_start3A_208 : memref<1x8x2048xf32, #tpu.memory_space<vmem>> -> memref<8x2048xf32, #tpu.memory_space<vmem>>
    tpu.enqueue_dma source(%dma_start3A_209 : memref<8x2048xf32, #tpu.memory_space<vmem>>) target(%dma_start3A_205 : memref<8x2048xf32, #tpu.memory_space<hbm>>) target_semaphore(%arg16 : memref<!tpu.dma_semaphore, #tpu.memory_space<semaphore_mem>>)
    %add3A_210 = arith.constant 488 : i32
    %add3A_211 = arith.addi %mul3A_2, %add3A_210 : i32
    %dma_wait3A_212 = arith.constant 1 : i32
    %dma_wait3A_213 = arith.constant 0 : i32
    %dma_wait3A_214 = arith.constant 0 : i32
    %dma_wait3A_215 = tpu.memref_slice %arg6[%dma_wait3A_212, %dma_wait3A_213, %dma_wait3A_214] : memref<6x8x2048xf32, #tpu.memory_space<vmem>> -> memref<1x8x2048xf32, #tpu.memory_space<vmem>>
    %dma_wait3A_216 = tpu.memref_squeeze %dma_wait3A_215 : memref<1x8x2048xf32, #tpu.memory_space<vmem>> -> memref<8x2048xf32, #tpu.memory_space<vmem>>
    %dma_wait3A_217 = arith.constant 0 : i32
    %dma_wait3A_218 = tpu.memref_slice %arg4[%add3A_211, %dma_wait3A_217] : memref<16384x2048xf32, #tpu.memory_space<hbm>> -> memref<8x2048xf32, #tpu.memory_space<hbm>>
    %dma_wait3A_219 = arith.constant 0 : i32
    %dma_wait3A_220 = tpu.memref_slice %arg4[%add3A_211, %dma_wait3A_219] : memref<16384x2048xf32, #tpu.memory_space<hbm>> -> memref<8x2048xf32, #tpu.memory_space<hbm>>
    %dma_wait3A_221 = arith.constant 0 : i32
    %dma_wait3A_222 = arith.constant 0 : i32
    %dma_wait3A_223 = tpu.memref_slice %arg6[%dma_wait3A_212, %dma_wait3A_221, %dma_wait3A_222] : memref<6x8x2048xf32, #tpu.memory_space<vmem>> -> memref<1x8x2048xf32, #tpu.memory_space<vmem>>
    %dma_wait3A_224 = tpu.memref_squeeze %dma_wait3A_223 : memref<1x8x2048xf32, #tpu.memory_space<vmem>> -> memref<8x2048xf32, #tpu.memory_space<vmem>>
    tpu.wait_dma2 semaphore(%arg14 : memref<!tpu.dma_semaphore, #tpu.memory_space<semaphore_mem>>) src(%dma_wait3A_224 : memref<8x2048xf32, #tpu.memory_space<vmem>>) dst(%dma_wait3A_220 : memref<8x2048xf32, #tpu.memory_space<hbm>>)
    %add3A_225 = arith.constant 496 : i32
    %add3A_226 = arith.addi %mul3A_2, %add3A_225 : i32
    %dma_wait3A_227 = arith.constant 2 : i32
    %dma_wait3A_228 = arith.constant 0 : i32
    %dma_wait3A_229 = arith.constant 0 : i32
    %dma_wait3A_230 = tpu.memref_slice %arg6[%dma_wait3A_227, %dma_wait3A_228, %dma_wait3A_229] : memref<6x8x2048xf32, #tpu.memory_space<vmem>> -> memref<1x8x2048xf32, #tpu.memory_space<vmem>>
    %dma_wait3A_231 = tpu.memref_squeeze %dma_wait3A_230 : memref<1x8x2048xf32, #tpu.memory_space<vmem>> -> memref<8x2048xf32, #tpu.memory_space<vmem>>
    %dma_wait3A_232 = arith.constant 0 : i32
    %dma_wait3A_233 = tpu.memref_slice %arg4[%add3A_226, %dma_wait3A_232] : memref<16384x2048xf32, #tpu.memory_space<hbm>> -> memref<8x2048xf32, #tpu.memory_space<hbm>>
    %dma_wait3A_234 = arith.constant 0 : i32
    %dma_wait3A_235 = tpu.memref_slice %arg4[%add3A_226, %dma_wait3A_234] : memref<16384x2048xf32, #tpu.memory_space<hbm>> -> memref<8x2048xf32, #tpu.memory_space<hbm>>
    %dma_wait3A_236 = arith.constant 0 : i32
    %dma_wait3A_237 = arith.constant 0 : i32
    %dma_wait3A_238 = tpu.memref_slice %arg6[%dma_wait3A_227, %dma_wait3A_236, %dma_wait3A_237] : memref<6x8x2048xf32, #tpu.memory_space<vmem>> -> memref<1x8x2048xf32, #tpu.memory_space<vmem>>
    %dma_wait3A_239 = tpu.memref_squeeze %dma_wait3A_238 : memref<1x8x2048xf32, #tpu.memory_space<vmem>> -> memref<8x2048xf32, #tpu.memory_space<vmem>>
    tpu.wait_dma2 semaphore(%arg15 : memref<!tpu.dma_semaphore, #tpu.memory_space<semaphore_mem>>) src(%dma_wait3A_239 : memref<8x2048xf32, #tpu.memory_space<vmem>>) dst(%dma_wait3A_235 : memref<8x2048xf32, #tpu.memory_space<hbm>>)
    %add3A_240 = arith.constant 504 : i32
    %add3A_241 = arith.addi %mul3A_2, %add3A_240 : i32
    %dma_wait3A_242 = arith.constant 3 : i32
    %dma_wait3A_243 = arith.constant 0 : i32
    %dma_wait3A_244 = arith.constant 0 : i32
    %dma_wait3A_245 = tpu.memref_slice %arg6[%dma_wait3A_242, %dma_wait3A_243, %dma_wait3A_244] : memref<6x8x2048xf32, #tpu.memory_space<vmem>> -> memref<1x8x2048xf32, #tpu.memory_space<vmem>>
    %dma_wait3A_246 = tpu.memref_squeeze %dma_wait3A_245 : memref<1x8x2048xf32, #tpu.memory_space<vmem>> -> memref<8x2048xf32, #tpu.memory_space<vmem>>
    %dma_wait3A_247 = arith.constant 0 : i32
    %dma_wait3A_248 = tpu.memref_slice %arg4[%add3A_241, %dma_wait3A_247] : memref<16384x2048xf32, #tpu.memory_space<hbm>> -> memref<8x2048xf32, #tpu.memory_space<hbm>>
    %dma_wait3A_249 = arith.constant 0 : i32
    %dma_wait3A_250 = tpu.memref_slice %arg4[%add3A_241, %dma_wait3A_249] : memref<16384x2048xf32, #tpu.memory_space<hbm>> -> memref<8x2048xf32, #tpu.memory_space<hbm>>
    %dma_wait3A_251 = arith.constant 0 : i32
    %dma_wait3A_252 = arith.constant 0 : i32
    %dma_wait3A_253 = tpu.memref_slice %arg6[%dma_wait3A_242, %dma_wait3A_251, %dma_wait3A_252] : memref<6x8x2048xf32, #tpu.memory_space<vmem>> -> memref<1x8x2048xf32, #tpu.memory_space<vmem>>
    %dma_wait3A_254 = tpu.memref_squeeze %dma_wait3A_253 : memref<1x8x2048xf32, #tpu.memory_space<vmem>> -> memref<8x2048xf32, #tpu.memory_space<vmem>>
    tpu.wait_dma2 semaphore(%arg16 : memref<!tpu.dma_semaphore, #tpu.memory_space<semaphore_mem>>) src(%dma_wait3A_254 : memref<8x2048xf32, #tpu.memory_space<vmem>>) dst(%dma_wait3A_250 : memref<8x2048xf32, #tpu.memory_space<hbm>>)
    return
  }
}

</mosaic_0001>

<sc_bundles>
// kernel: kernel.3.cloned.1.call-start
scs
__scs_entry_jumppad:
0x0: {  	(pc) =	sbr.rel $0x88, $3  }
0x1: {  	(tag) =	ssettag $0x0;
	lr =	simm.s32 $0x1  }
0x2: {  	[smem:$0x3F9F] =	sst lr;
	_ =	strace $0xD0000000  }
0x3: {  	_ = 	snop  }
0x4: {  	_ = 	snop  }
0x5: {  	_ = 	snop  }
0x6: {  	_ = 	snop  }
0x7: {  	_ = 	snop  }
__scs_overlays_trampoline_lowered:
0x8: {  	[smem:$0x3FAE] =	sst s0  }
0x9: {  	[smem:$0x3FAF] =	sst s1  }
0xa: {  	[smem:$0x3FB0] =	sst s2  }
0xb: {  	[smem:$0x3FB1] =	sst s3  }
0xc: {  	[smem:$0x3FB2] =	sst s4  }
0xd: {  	[smem:$0x3FB3] =	sst s5  }
0xe: {  	[smem:$0x3FB4] =	sst s6  }
0xf: {  	[smem:$0x3FB5] =	sst s7  }
0x10: {  	[smem:$0x3FB6] =	sst s8  }
0x11: {  	[smem:$0x3FB7] =	sst s9;
	s0 =	simm.s32 @!p0 $0x0  }
0x12: {  	s1 =	sld [smem:$0x3F9D];
	s0 =	simm.s32 @p0 $0x1  }
0x13: {  	[smem:$0x3FB8] =	sst s0;
	s0 =	simm.s32 @!p1 $0x0  }
0x14: {  	s2 =	sld [smem:$0x3F9C];
	s0 =	simm.s32 @p1 $0x1  }
0x15: {  	[smem:$0x3FB9] =	sst s0;
	s0 =	simm.s32 @!p2 $0x0  }
0x16: {  	s3 =	sld [smem:$0x3FDB];
	s0 =	simm.s32 @p2 $0x1  }
0x17: {  	s4 =	simm.s32 $0x1BF5;
	[smem:$0x3FBB] =	sst s0  }
0x18: {  	s0 =	sld [smem:$0x3F9E];
	_ =	swait.ge [sflag:s4], $0x0  }
0x19: {  	s7 =	sld [smem:$0x3F9F]  }
0x1a: {  	s8 =	sadd.s32 $0xFFFFE003, lr  }
0x1b: {  	s9 =	sadd.s32 $0xFFFFFEF7, lr;
	s5 =	simm.s32 $0xFFFFFFFF;
	p2 =	slt.u32 s8, $0xFFFFF086  }
0x1c: {  	p1 =	slt.u32 s9, $0xF7A;
	s5 =	simm.s32 @!p2 $0x0  }
0x1d: {  	s5 =	simm.s32 @p1 $0x1;
	p0 =	seq.s32 s7, s2  }
0x1e: {  	s7 =	smul.u32 @!p0 $0xF7A, s2;
	p2 =	seq.s32 @!p0 s5, $0x0  }
0x1f: {  	s9 =	smul.u32 $0xF7A, s1;
	s8 =	simm.s32 @!p0 $0x1BF5;
	p2 =	por !p2, p0  }
0x20: {  	[sflag:s8] =	ssyncset.s32 @!p0 $0xFFFFF086;
	s6 =	sadd.s32 @!p0 s3, s7;
	s7 =	simm.s32 @!p0 $0x108  }
0x21: {  	s3 =	sadd.s32 s3, s9;
	s6 =	sadd.s32 @!p0 $0x88, s6;
	s7 =	simm.s32 @p2 $0x1082  }
0x22: {  	[simem:s7], [sflag:s8] =	dma.local @!p0 [hbm:s6], $0xF7A  }
0x23: {  	s9 =	sor.u32 $0xD0000000, s2;
	s6 =	simm.s32 $0x108;
	_ =	swait.ge @!p0 [sflag:s8], $0x0  }
0x24: {  	s3 =	sadd.s32 $0x88, s3;
	s6 =	simm.s32 @!p1 $0x1082;
	[sflag:s4] =	ssyncset.s32 $0xFFFFF086  }
0x25: {  	[simem:s6], [sflag:s4] =	dma.local [hbm:s3], $0xF7A  }
0x26: {  	[smem:$0x3F9F] =	sst s1;
	(tag) =	ssettag s2;
	_ =	strace s9  }
0x27: {  	s1 =	sld [smem:$0x3FAF]  }
0x28: {  	s2 =	sld [smem:$0x3FB0]  }
0x29: {  	s4 =	sld [smem:$0x3FB2]  }
0x2a: {  	p0 =	seq.s32 s5, $0x0;
	s5 =	sld [smem:$0x3FB3]  }
0x2b: {  	s6 =	sld [smem:$0x3FB4]  }
0x2c: {  	s7 =	sld [smem:$0x3FB5]  }
0x2d: {  	s3 =	simm.s32 $0x108;
	s8 =	sld [smem:$0x3FB6]  }
0x2e: {  	s3 =	simm.s32 @!p0 $0x1082;
	s9 =	sld [smem:$0x3FB7]  }
0x2f: {  	lr =	sadd.s32 s0, s3;
	s0 =	sld [smem:$0x3FAE]  }
0x30: {  	s3 =	sld [smem:$0x3FB1]  }
0x31: {  	[smem:$0x3FBA] =	sst s10  }
0x32: {  	s10 =	sld [smem:$0x3FB8];
	_ =	sdelay $0x3  }
0x33: {  	p0 =	seq.s32 s10, $0x1;
	s10 =	sld [smem:$0x3FBA];
	_ =	sdelay $0x3  }
0x34: {  	[smem:$0x3FBA] =	sst s10  }
0x35: {  	s10 =	sld [smem:$0x3FB9];
	_ =	sdelay $0x3  }
0x36: {  	p1 =	seq.s32 s10, $0x1;
	s10 =	sld [smem:$0x3FBA];
	_ =	sdelay $0x3  }
0x37: {  	[smem:$0x3FBA] =	sst s10  }
0x38: {  	s10 =	sld [smem:$0x3FBB]  }
0x39: {  	_ = 	snop;
	(pc) =	sbr.ind lr, $3  }
0x3a: {  	_ = 	snop  }
0x3b: {  	_ = 	snop  }
0x3c: {  	p2 =	seq.s32 s10, $0x1;
	s10 =	sld [smem:$0x3FBA]  }
0x3d: {  	_ =	shalt  }
0x3e: {  	_ =	shalt  }
0x3f: {  	_ =	shalt  }
0x40: {  	_ =	shalt  }
0x41: {  	_ =	shalt  }
0x42: {  	_ =	shalt  }
0x43: {  	_ =	shalt  }
0x44: {  	_ =	shalt  }
0x45: {  	_ =	shalt  }
0x46: {  	_ =	shalt  }
0x47: {  	_ =	shalt  }
0x48: {  	_ =	shalt  }
0x49: {  	_ =	shalt  }
0x4a: {  	_ =	shalt  }
0x4b: {  	_ =	shalt  }
0x4c: {  	_ =	shalt  }
0x4d: {  	_ =	shalt  }
0x4e: {  	_ =	shalt  }
0x4f: {  	_ =	shalt  }
0x50: {  	_ =	shalt  }
0x51: {  	_ =	shalt  }
0x52: {  	_ =	shalt  }
0x53: {  	_ =	shalt  }
0x54: {  	_ =	shalt  }
0x55: {  	_ =	shalt  }
0x56: {  	_ =	shalt  }
0x57: {  	_ =	shalt  }
0x58: {  	_ =	shalt  }
0x59: {  	_ =	shalt  }
0x5a: {  	_ =	shalt  }
0x5b: {  	_ =	shalt  }
0x5c: {  	_ =	shalt  }
0x5d: {  	_ =	shalt  }
0x5e: {  	_ =	shalt  }
0x5f: {  	_ =	shalt  }
0x60: {  	_ =	shalt  }
0x61: {  	_ =	shalt  }
0x62: {  	_ =	shalt  }
0x63: {  	_ =	shalt  }
0x64: {  	_ =	shalt  }
0x65: {  	_ =	shalt  }
0x66: {  	_ =	shalt  }
0x67: {  	_ =	shalt  }
0x68: {  	_ =	shalt  }
0x69: {  	_ =	shalt  }
0x6a: {  	_ =	shalt  }
0x6b: {  	_ =	shalt  }
0x6c: {  	_ =	shalt  }
0x6d: {  	_ =	shalt  }
0x6e: {  	_ =	shalt  }
0x6f: {  	_ =	shalt  }
0x70: {  	_ =	shalt  }
0x71: {  	_ =	shalt  }
0x72: {  	_ =	shalt  }
0x73: {  	_ =	shalt  }
0x74: {  	_ =	shalt  }
0x75: {  	_ =	shalt  }
0x76: {  	_ =	shalt  }
0x77: {  	_ =	shalt  }
0x78: {  	_ =	shalt  }
0x79: {  	_ =	shalt  }
0x7a: {  	_ =	shalt  }
0x7b: {  	_ =	shalt  }
0x7c: {  	_ =	shalt  }
0x7d: {  	_ =	shalt  }
0x7e: {  	_ =	shalt  }
0x7f: {  	_ =	shalt  }
0x80: {  	_ =	shalt  }
0x81: {  	_ =	shalt  }
0x82: {  	_ =	shalt  }
0x83: {  	_ =	shalt  }
0x84: {  	_ =	shalt  }
0x85: {  	_ =	shalt  }
0x86: {  	_ =	shalt  }
0x87: {  	_ =	shalt  }
.Lfunc_end0:
.L_simem_size_0:
called_computation_lowered:
.L_overlay_start_0:
0x88: {  	s2 =	sld [smem:$0x3FD9]  }
0x89: {  	s3 =	sld [smem:$0x3FFE];
	_ =	sdelay $0x1  }
0x8a: {  	s1 =	srdreg.scid  }
0x8b: {  	s0 =	sand.u32 $0x1, s1  }
0x8c: {  	s17 =	sshll.u32 s0, $0xA;
	s2 =	sadd.s32 s3, s2  }
0x8d: {  	s2 =	sadd.s32 s2, s17  }
0x8e: {  	[smem:$0x3FC6] =	sst s2  }
0x8f: {  	_ = 	snop  }
0x90: {  	s2 =	sld [smem:$0x3FC8]  }
0x91: {  	s18 =	sld [smem:$0x3FD0];
	(tm) =	ssettm $0x1  }
0x92: {  	s4 =	sld [smem:$0x3FFB];
	_ =	sdelay $0x3  }
0x93: {  	_ =	strace s4  }
0x94: {  	s4 =	sld [smem:$0x3FFC];
	_ =	sdelay $0x3  }
0x95: {  	_ =	strace s4  }
0x96: {  	s4 =	sld [smem:$0x3FFD];
	_ =	sdelay $0x3  }
0x97: {  	_ =	strace s4  }
0x98: {  	_ =	strace $0x8FFFFFFF  }
0x99: {  	s19 =	sld [smem:$0x3FDB];
	_ =	sdelay $0x1  }
0x9a: {  	s5 =	simm.s32 $_scs_section_size  }
0x9b: {  	s6 =	simm.s32 $_size__tile_overlayer_lowered;
	s7 =	simm.s32 $_tile_overlayer_lowered  }
0x9c: {  	s22 =	simm.s32 $0x1BFF;
	s21 =	sshll.u32 s7, $0x1;
	s4 =	sadd.s32 s5, s19  }
0x9d: {  	s8 =	simm.s32 $0x0;
	s20 =	sshll.u32 s6, $0x1;
	s6 =	sadd.s32 s21, s4  }
0x9e: {  	[timem:s8], [sflag:s22] =	dma.local [hbm:s6], s20  }
0x9f: {  	_ =	swait.ge [sflag:s22], s20  }
0xa0: {  	s5 =	ssub.s32 $0x0, s20;
	[sflag:s22] =	ssyncset.done $0x0  }
0xa1: {  	[sflag:s22] =	ssyncadd.s32 s5;
	_ =	sdelay $0x1  }
0xa2: {  	s23 =	simm.s32 $0x1B8B  }
0xa3: {  	_ =	swait.ge [sflag:s23], $0x1  }
0xa4: {  	[sflag:s23] =	ssyncset.done $0x0  }
0xa5: {  	s25 =	simm.s32 $0x1B8E;
	s24 =	sld [smem:$0x3FFE];
	[sflag:s23] =	ssyncadd.s32 $0xFFFFFFFF  }
0xa6: {  	s26 =	simm.s32 $execute0_lowered;
	[smem:$0x3FD2] =	sst s25  }
0xa7: {  	s6 =	sshll.u32 s26, $0x1;
	_ =	strace $0x80000046;
	[dreg:$0x1] =	wrdreg $0xFFFFFFFF  }
0xa8: {  	s28 =	simm.s32 $_size_execute0_lowered;
	s4 =	sadd.s32 s4, s6;
	[dreg:$0x0] =	wrdreg $0x0  }
0xa9: {  	s6 =	sshll.u32 s28, $0x1;
	[dreg:$0x2] =	wrdreg s4  }
0xaa: {  	[dreg:$0x3] =	wrdreg s6  }
0xab: {  	[dreg:$0x4] =	wrdreg $0xC0  }
0xac: {  	_ =	task [dreg:s8], $0x5FFFF  }
0xad: {  	[dreg:$0x1] =	wrdreg $0xFFFFFFFF  }
0xae: {  	[dreg:$0x0] =	wrdreg $0x60  }
0xaf: {  	[dreg:$0x2] =	wrdreg s24  }
0xb0: {  	[dreg:$0x3] =	wrdreg s2  }
0xb1: {  	[dreg:$0x4] =	wrdreg s18  }
0xb2: {  	[dreg:$0x5] =	wrdreg $0x9  }
0xb3: {  	_ =	task.clear_ibuf [dreg:s8], $0x6FFFF;
	_ =	strace $0x90000046  }
0xb4: {  	s29 =	simm.s32 $0x9;
	_ =	strace $0x80000048  }
0xb5: {  	_ =	swait.ge [sflag:s29], $0x1  }
0xb6: {  	[sflag:s29] =	ssyncadd.s32 $0xFFFFFFFF  }
0xb7: {  	_ =	strace $0x90000048  }
0xb8: {  	_ =	sfence  }
0xb9: {  	s30 =	sld [smem:$0x0];
	_ =	sdelay $0x2  }
0xba: {  	s31 =	sshll.u32 s1, $0xD;
	s1 =	sshrl.u32 s1, $0x2  }
0xbb: {  	s3 =	sand.u32 $0x4000, s31;
	s1 =	sadd.s32 s1, s30  }
0xbc: {  	s0 =	sor.u32 s3, s0;
	s1 =	sshll.u32 s1, $0x11  }
0xbd: {  	s0 =	sor.u32 s1, s0  }
0xbe: {  	s0 =	sadd.s32 $0x8F2B, s0  }
0xbf: {  	[sflag:s0] =	ssyncadd.remote.s32 $0x1  }
0xc0: {  	_ =	sfence.sel $0xFFFF  }
0xc1: {  	[dreg:$0x0] =	wrdreg $0xFFFFFFFF;
	(pc) =	sbr.abs _section_cstart, $3  }
0xc2: {  	[dreg:$0x1] =	wrdreg $0xFFFFFFFF  }
0xc3: {  	_ =	task.clear_ibuf [dreg:s8], $0x2FFFF;
	_ =	strace $0x9FFFFFFF  }
0xc4: {  	(tm) =	ssettm $0x7FFFFFFF  }
0xc5: {  	_ =	shalt  }
tec
execute0_lowered:
.L_overlay_start_1:
0x0: {  	(tag) =	ssettag $0x1  }
0x1: {  	s0 =	rddreg [dreg:$0x0]  }
0x2: {  	s1 =	srdreg.scid;
	s2 =	rddreg [dreg:$0x1]  }
0x3: {  	s4 =	stileid.u32;
	s3 =	rddreg [dreg:$0x2]  }
0x4: {  	s18 =	simm.s32 $0x200;
	s29 =	simm.s32 $0x1;
	s31 =	simm.s32 $0x2  }
0x5: {  	s28 =	simm.s32 $0xA;
	s1 =	sand.u32 $0x1, s1;
	s5 =	sshll.u32 s4, $0xA  }
0x6: {  	s4 =	simm.s32 $0x0;
	s8 =	sadd.s32 $0x100, s2;
	s9 =	sadd.s32 $0x200, s2  }
0x7: {  	s10 =	sadd.s32 $0x300, s2;
	s11 =	sadd.s32 $0x400, s2;
	s12 =	sadd.s32 $0x500, s2  }
0x8: {  	s13 =	sadd.s32 $0x600, s2;
	s14 =	sadd.s32 $0x700, s2;
	s6 =	sshll.u32 s1, $0x9  }
0x9: {  	[smem:$0x7FF] =	sst s4;
	s1 =	ssub.s32 $0x2, s1;
	s7 =	sor.u32 s6, s5  }
0xa: {  	_ =	strace $0x80000047;
	s19 =	sshrl.u32 s1, $0x1;
	s6 =	sshrl.u32 s7, $0x3  }
0xb: {  	s1 =	ssub.s32 s1, s19;
	[dreg:$0x4] =	wrdreg s7;
	s21 =	sor.u32 $0x1, s6  }
0xc: {  	s20 =	sshll.u32 s7, $0x8;
	s22 =	sor.u32 $0x2, s6;
	[dreg:$0x6] =	wrdreg s21  }
0xd: {  	s0 =	sadd.s32 s6, s0;
	s23 =	sor.u32 $0x3, s6;
	[dreg:$0x7] =	wrdreg s22  }
0xe: {  	s7 =	simm.s32 $0x3;
	s0 =	sadd.s32 $0x400, s0;
	[dreg:$0x8] =	wrdreg s23  }
0xf: {  	s30 =	smax.u32 s1, $0x1;
	[dreg:$0x5] =	wrdreg s0;
	s0 =	sadd.s32 s20, s3  }
0x10: {  	s19 =	simm.s32 $0x7;
	[dreg:$0xd] =	wrdreg s30;
	s24 =	sadd.s32 $0x1E000, s0  }
0x11: {  	s1 =	simm.s32 $0x0;
	s25 =	sadd.s32 $0x1E800, s0;
	[dreg:$0x9] =	wrdreg s24  }
0x12: {  	s21 =	simm.s32 $0x8;
	s26 =	sadd.s32 $0x1F000, s0;
	[dreg:$0xa] =	wrdreg s25  }
0x13: {  	v0 =	vlaneseq.u32;
	s22 =	simm.s32 $0x5;
	s0 =	sadd.s32 $0x1F800, s0;
	[dreg:$0xb] =	wrdreg s26  }
0x14: {  	v1 =	vshrl.u32 v0, $0x3;
	s23 =	simm.s32 $0x9;
	s20 =	simm.s32 $0x4;
	[dreg:$0xc] =	wrdreg s0  }
0x15: {  	vm0 =	vmmov $0xffff;
	v0 =	vand.u32 $0x7, v0;
	v1 =	vmul.u32 $0x8, v1;
	s25 =	simm.s32 $0xC200;
	s24 =	simm.s32 $0x10200;
	s26 =	simm.s32 $0x6  }
.LBB2_1:
0x16: {  	[dreg:$0xe] =	wrdreg s1  }
0x17: {  	s0 =	rddreg [dreg:$0x5];
	s1 =	simm.s32 $0xD  }
0x18: {  	[tilespmem:s4], [sflag:$0xD] =	stream.linear.gather [hbm4b:s0+s4], $0x200, $0x38;
	[tilespmem:$0x18200] =	vst v63  }
0x19: {  	_ =	swait.ge [sflag:s1], $0x200  }
0x1a: {  	[sflag:s1] =	ssyncset.done $0x0  }
0x1b: {  	[sflag:s1] =	ssyncadd.s32 $0xFFFFFE00  }
0x1c: {  	v2 =	vld.msk [tilespmem:$0x0], $0xff;
	_ =	sdelay $0x4  }
0x1d: {  	v3 =	vshll.u32 v2, $0x4  }
0x1e: {  	v2 =	vand.u32 $0x7, v2;
	v3 =	vand.u32 $0xFFFFFF80, v3  }
0x1f: {  	v2 =	vor.u32 v2, v3  }
0x20: {  	v2 =	vperm.xlane v2, v0;
	_ =	sdelay $0x1  }
0x21: {  	v2 =	vadd.s32 v1, v2;
	_ =	sdelay $0x4  }
0x22: {  	[tilespmem:s18], [sflag:$0x1] =	stream.indirect_vreg.gather [hbm4b:s2+s4], $0x80, v2, vm0, $0xb8;
	[tilespmem:$0x18200] =	vst v63  }
0x23: {  	s5 =	simm.s32 $0xA00  }
0x24: {  	[tilespmem:s5], [sflag:$0x1] =	stream.indirect_vreg.gather [hbm4b:s8+s4], $0x80, v2, vm0, $0xb8;
	[tilespmem:$0x18200] =	vst v63  }
0x25: {  	s15 =	simm.s32 $0x1200  }
0x26: {  	[tilespmem:s15], [sflag:$0x1] =	stream.indirect_vreg.gather [hbm4b:s9+s4], $0x80, v2, vm0, $0xb8;
	[tilespmem:$0x18200] =	vst v63  }
0x27: {  	s16 =	simm.s32 $0x1A00  }
0x28: {  	[tilespmem:s16], [sflag:$0x1] =	stream.indirect_vreg.gather [hbm4b:s10+s4], $0x80, v2, vm0, $0xb8;
	[tilespmem:$0x18200] =	vst v63  }
0x29: {  	s17 =	simm.s32 $0x2200  }
0x2a: {  	[tilespmem:s17], [sflag:$0x1] =	stream.indirect_vreg.gather [hbm4b:s11+s4], $0x80, v2, vm0, $0xb8;
	[tilespmem:$0x18200] =	vst v63  }
0x2b: {  	s30 =	simm.s32 $0x2A00  }
0x2c: {  	[tilespmem:s30], [sflag:$0x1] =	stream.indirect_vreg.gather [hbm4b:s12+s4], $0x80, v2, vm0, $0xb8;
	[tilespmem:$0x18200] =	vst v63  }
0x2d: {  	s1 =	simm.s32 $0x3200  }
0x2e: {  	[tilespmem:s1], [sflag:$0x1] =	stream.indirect_vreg.gather [hbm4b:s13+s4], $0x80, v2, vm0, $0xb8;
	[tilespmem:$0x18200] =	vst v63  }
0x2f: {  	s5 =	simm.s32 $0x3A00  }
0x30: {  	[tilespmem:s5], [sflag:$0x1] =	stream.indirect_vreg.gather [hbm4b:s14+s4], $0x80, v2, vm0, $0xb8;
	[tilespmem:$0x18200] =	vst v63  }
0x31: {  	v2 =	vld.msk [tilespmem:$0x8], $0xff;
	_ =	sdelay $0x4  }
0x32: {  	v3 =	vshll.u32 v2, $0x4  }
0x33: {  	v2 =	vand.u32 $0x7, v2;
	v3 =	vand.u32 $0xFFFFFF80, v3  }
0x34: {  	v2 =	vor.u32 v2, v3  }
0x35: {  	v2 =	vperm.xlane v2, v0;
	_ =	sdelay $0x1  }
0x36: {  	v2 =	vadd.s32 v1, v2;
	_ =	sdelay $0x3  }
0x37: {  	s15 =	simm.s32 $0x4200  }
0x38: {  	[tilespmem:s15], [sflag:$0x2] =	stream.indirect_vreg.gather [hbm4b:s2+s4], $0x80, v2, vm0, $0xb8;
	[tilespmem:$0x18200] =	vst v63  }
0x39: {  	s16 =	simm.s32 $0x4A00  }
0x3a: {  	[tilespmem:s16], [sflag:$0x2] =	stream.indirect_vreg.gather [hbm4b:s8+s4], $0x80, v2, vm0, $0xb8;
	[tilespmem:$0x18200] =	vst v63  }
0x3b: {  	s17 =	simm.s32 $0x5200  }
0x3c: {  	[tilespmem:s17], [sflag:$0x2] =	stream.indirect_vreg.gather [hbm4b:s9+s4], $0x80, v2, vm0, $0xb8;
	[tilespmem:$0x18200] =	vst v63  }
0x3d: {  	s30 =	simm.s32 $0x5A00  }
0x3e: {  	[tilespmem:s30], [sflag:$0x2] =	stream.indirect_vreg.gather [hbm4b:s10+s4], $0x80, v2, vm0, $0xb8;
	[tilespmem:$0x18200] =	vst v63  }
0x3f: {  	s1 =	simm.s32 $0x6200  }
0x40: {  	[tilespmem:s1], [sflag:$0x2] =	stream.indirect_vreg.gather [hbm4b:s11+s4], $0x80, v2, vm0, $0xb8;
	[tilespmem:$0x18200] =	vst v63  }
0x41: {  	s5 =	simm.s32 $0x6A00  }
0x42: {  	[tilespmem:s5], [sflag:$0x2] =	stream.indirect_vreg.gather [hbm4b:s12+s4], $0x80, v2, vm0, $0xb8;
	[tilespmem:$0x18200] =	vst v63  }
0x43: {  	s15 =	simm.s32 $0x7200  }
0x44: {  	[tilespmem:s15], [sflag:$0x2] =	stream.indirect_vreg.gather [hbm4b:s13+s4], $0x80, v2, vm0, $0xb8;
	[tilespmem:$0x18200] =	vst v63  }
0x45: {  	s16 =	simm.s32 $0x7A00  }
0x46: {  	[tilespmem:s16], [sflag:$0x2] =	stream.indirect_vreg.gather [hbm4b:s14+s4], $0x80, v2, vm0, $0xb8;
	[tilespmem:$0x18200] =	vst v63  }
0x47: {  	v2 =	vld.msk [tilespmem:$0x10], $0xff;
	_ =	sdelay $0x4  }
0x48: {  	v3 =	vshll.u32 v2, $0x4  }
0x49: {  	v2 =	vand.u32 $0x7, v2;
	v3 =	vand.u32 $0xFFFFFF80, v3  }
0x4a: {  	v2 =	vor.u32 v2, v3  }
0x4b: {  	v2 =	vperm.xlane v2, v0;
	_ =	sdelay $0x1  }
0x4c: {  	v2 =	vadd.s32 v1, v2;
	_ =	sdelay $0x3  }
0x4d: {  	s17 =	simm.s32 $0x8200  }
0x4e: {  	[tilespmem:s17], [sflag:$0x3] =	stream.indirect_vreg.gather [hbm4b:s2+s4], $0x80, v2, vm0, $0xb8;
	[tilespmem:$0x18200] =	vst v63  }
0x4f: {  	s30 =	simm.s32 $0x8A00  }
0x50: {  	[tilespmem:s30], [sflag:$0x3] =	stream.indirect_vreg.gather [hbm4b:s8+s4], $0x80, v2, vm0, $0xb8;
	[tilespmem:$0x18200] =	vst v63  }
0x51: {  	s1 =	simm.s32 $0x9200  }
0x52: {  	[tilespmem:s1], [sflag:$0x3] =	stream.indirect_vreg.gather [hbm4b:s9+s4], $0x80, v2, vm0, $0xb8;
	[tilespmem:$0x18200] =	vst v63  }
0x53: {  	s5 =	simm.s32 $0x9A00  }
0x54: {  	[tilespmem:s5], [sflag:$0x3] =	stream.indirect_vreg.gather [hbm4b:s10+s4], $0x80, v2, vm0, $0xb8;
	[tilespmem:$0x18200] =	vst v63  }
0x55: {  	s15 =	simm.s32 $0xA200  }
0x56: {  	[tilespmem:s15], [sflag:$0x3] =	stream.indirect_vreg.gather [hbm4b:s11+s4], $0x80, v2, vm0, $0xb8;
	[tilespmem:$0x18200] =	vst v63  }
0x57: {  	s16 =	simm.s32 $0xAA00  }
0x58: {  	[tilespmem:s16], [sflag:$0x3] =	stream.indirect_vreg.gather [hbm4b:s12+s4], $0x80, v2, vm0, $0xb8;
	[tilespmem:$0x18200] =	vst v63  }
0x59: {  	s17 =	simm.s32 $0xB200  }
0x5a: {  	[tilespmem:s17], [sflag:$0x3] =	stream.indirect_vreg.gather [hbm4b:s13+s4], $0x80, v2, vm0, $0xb8;
	[tilespmem:$0x18200] =	vst v63  }
0x5b: {  	s30 =	simm.s32 $0xBA00  }
0x5c: {  	[tilespmem:s30], [sflag:$0x3] =	stream.indirect_vreg.gather [hbm4b:s14+s4], $0x80, v2, vm0, $0xb8;
	[tilespmem:$0x18200] =	vst v63  }
0x5d: {  	v2 =	vld.msk [tilespmem:$0x18], $0xff;
	_ =	sdelay $0x4  }
0x5e: {  	v3 =	vshll.u32 v2, $0x4  }
0x5f: {  	v2 =	vand.u32 $0x7, v2;
	v3 =	vand.u32 $0xFFFFFF80, v3  }
0x60: {  	v2 =	vor.u32 v2, v3  }
0x61: {  	v2 =	vperm.xlane v2, v0;
	_ =	sdelay $0x1  }
0x62: {  	v2 =	vadd.s32 v1, v2;
	_ =	sdelay $0x4  }
0x63: {  	[tilespmem:s25], [sflag:$0x4] =	stream.indirect_vreg.gather [hbm4b:s2+s4], $0x80, v2, vm0, $0xb8;
	[tilespmem:$0x18200] =	vst v63  }
0x64: {  	s1 =	simm.s32 $0xCA00  }
0x65: {  	[tilespmem:s1], [sflag:$0x4] =	stream.indirect_vreg.gather [hbm4b:s8+s4], $0x80, v2, vm0, $0xb8;
	[tilespmem:$0x18200] =	vst v63  }
0x66: {  	s5 =	simm.s32 $0xD200  }
0x67: {  	[tilespmem:s5], [sflag:$0x4] =	stream.indirect_vreg.gather [hbm4b:s9+s4], $0x80, v2, vm0, $0xb8;
	[tilespmem:$0x18200] =	vst v63  }
0x68: {  	s15 =	simm.s32 $0xDA00  }
0x69: {  	[tilespmem:s15], [sflag:$0x4] =	stream.indirect_vreg.gather [hbm4b:s10+s4], $0x80, v2, vm0, $0xb8;
	[tilespmem:$0x18200] =	vst v63  }
0x6a: {  	s16 =	simm.s32 $0xE200  }
0x6b: {  	[tilespmem:s16], [sflag:$0x4] =	stream.indirect_vreg.gather [hbm4b:s11+s4], $0x80, v2, vm0, $0xb8;
	[tilespmem:$0x18200] =	vst v63  }
0x6c: {  	s17 =	simm.s32 $0xEA00  }
0x6d: {  	[tilespmem:s17], [sflag:$0x4] =	stream.indirect_vreg.gather [hbm4b:s12+s4], $0x80, v2, vm0, $0xb8;
	[tilespmem:$0x18200] =	vst v63  }
0x6e: {  	s25 =	simm.s32 $0xF200  }
0x6f: {  	[tilespmem:s25], [sflag:$0x4] =	stream.indirect_vreg.gather [hbm4b:s13+s4], $0x80, v2, vm0, $0xb8;
	[tilespmem:$0x18200] =	vst v63  }
0x70: {  	s30 =	simm.s32 $0xFA00;
	s5 =	simm.s32 $0x0  }
0x71: {  	[tilespmem:s30], [sflag:$0x4] =	stream.indirect_vreg.gather [hbm4b:s14+s4], $0x80, v2, vm0, $0xb8;
	[tilespmem:$0x18200] =	vst v63  }
.LBB2_2:
0x72: {  	_ =	swait.ge [sflag:s29], $0x4000  }
0x73: {  	[sflag:s29] =	ssyncset.done $0x0  }
0x74: {  	s15 =	simm.s32 $0x0;
	s16 =	simm.s32 $0x240;
	[sflag:s29] =	ssyncadd.s32 $0xFFFFC000  }
.LBB2_3:
0x75: {  	v4 =	vld [tilespmem:s16+$0x30]  }
0x76: {  	v6 =	vld [tilespmem:s16+$0xFFFFFFD0]  }
0x77: {  	v8 =	vld [tilespmem:s16+$0xFFFFFFE0]  }
0x78: {  	v5 =	vld [tilespmem:s16+$0xFFFFFFF0]  }
0x79: {  	v3 =	vld [tilespmem:s16+$0x0]  }
0x7a: {  	v2 =	vld [tilespmem:s16+$0x10];
	v9 =	vmul.f32 $4.525483320e+01, v4  }
0x7b: {  	v4 =	vld [tilespmem:s16+$0x20];
	v7 =	vmul.f32 $4.525483320e+01, v6  }
0x7c: {  	s1 =	simm.s32 $0x0;
	s17 =	sadd.s32 $0x400, s16;
	s0 =	smov.u32 s16;
	v6 =	vld [tilespmem:s16+$0xFFFFFFC0];
	v8 =	vmul.f32 $4.525483320e+01, v8;
	[tilespmem:s16+$0x30] =	vst v9  }
.LBB2_4:
0x7d: {  	v9 =	vld [tilespmem:s17+$0x30];
	s1 =	sadd.s32 $0x8, s1;
	[tilespmem:s0+$0xFFFFFFD0] =	vst v7;
	v5 =	vmul.f32 $4.525483320e+01, v5  }
0x7e: {  	v7 =	vld [tilespmem:s17+$0xFFFFFFD0];
	p0 =	slt.u32 s1, $0x78;
	[tilespmem:s0+$0xFFFFFFE0] =	vst v8;
	v3 =	vmul.f32 $4.525483320e+01, v3  }
0x7f: {  	v8 =	vld [tilespmem:s17+$0xFFFFFFE0];
	[tilespmem:s0+$0xFFFFFFF0] =	vst v5;
	v2 =	vmul.f32 $4.525483320e+01, v2  }
.Ltmp0:
0x80: {  	v5 =	vld [tilespmem:s17+$0xFFFFFFF0];
	[tilespmem:s0+$0x0] =	vst v3;
	v4 =	vmul.f32 $4.525483320e+01, v4;
	(pc) =	sbr.rel @p0 .LBB2_4-.Ltmp0, $4  }
0x81: {  	v3 =	vld [tilespmem:s17+$0x0];
	v6 =	vmul.f32 $4.525483320e+01, v6;
	[tilespmem:s0+$0x10] =	vst v2  }
0x82: {  	v2 =	vld [tilespmem:s17+$0x10];
	v9 =	vmul.f32 $4.525483320e+01, v9;
	[tilespmem:s0+$0x20] =	vst v4  }
0x83: {  	v7 =	vmul.f32 $4.525483320e+01, v7;
	v4 =	vld [tilespmem:s17+$0x20];
	[tilespmem:s0+$0xFFFFFFC0] =	vst v6;
	s0 =	smov.u32 s17  }
0x84: {  	s17 =	sadd.s32 $0x400, s17;
	v6 =	vld [tilespmem:s0+$0xFFFFFFC0];
	v8 =	vmul.f32 $4.525483320e+01, v8;
	[tilespmem:s0+$0x30] =	vst v9  }
0x85: {  	[tilespmem:s0+$0xFFFFFFD0] =	vst v7;
	v5 =	vmul.f32 $4.525483320e+01, v5;
	s15 =	sadd.s32 $0x1, s15  }
0x86: {  	[tilespmem:s0+$0xFFFFFFE0] =	vst v8;
	v3 =	vmul.f32 $4.525483320e+01, v3;
	p0 =	sne.s32 s15, $0x8  }
.Ltmp1:
0x87: {  	[tilespmem:s0+$0xFFFFFFF0] =	vst v5;
	v2 =	vmul.f32 $4.525483320e+01, v2;
	(pc) =	sbr.rel @p0 .LBB2_3-.Ltmp1, $4  }
0x88: {  	[tilespmem:s0+$0x0] =	vst v3;
	v3 =	vmul.f32 $4.525483320e+01, v4  }
0x89: {  	v63 =	vmul.f32 $4.525483320e+01, v6;
	[tilespmem:s0+$0x10] =	vst v2  }
0x8a: {  	[tilespmem:s0+$0x20] =	vst v3  }
0x8b: {  	s16 =	sadd.s32 $0x80, s16;
	[tilespmem:s0+$0xFFFFFFC0] =	vst v63  }
0x8c: {  	s0 =	smul.u32 $0x30, s5  }
0x8d: {  	s1 =	rddreg [dreg:$0x4]  }
0x8e: {  	s0 =	sadd.s32 s1, s0  }
0x8f: {  	s0 =	sshll.u32 s0, $0x8  }
0x90: {  	s17 =	smul.u32 $0x6, s5;
	p0 =	seq.s32 s5, $0x0;
	s0 =	sadd.s32 s3, s0  }
0x91: {  	[hbm4b:s0+s4] =	stream.linear.scatter [tilespmem:s18], [sflag:$0x7], $0x4000, $0x38;
	[tilespmem:$0x18200] =	vst v63  }
0x92: {  	s0 =	simm.s32 @!p0 $0xB  }
0x93: {  	s15 =	sadd.s32 $0x4, s17;
	_ =	swait.ge @!p0 [sflag:s0], $0x4000  }
0x94: {  	s30 =	sshll.u32 s15, $0x3;
	[sflag:s0] =	ssyncset.done @!p0 $0x0  }
0x95: {  	s16 =	sand.u32 $0x3FFFFFF8, s30;
	[sflag:s0] =	ssyncadd.s32 @!p0 $0xFFFFC000  }
0x96: {  	v2 =	vld.msk [tilespmem:s16+$0x0], $0xff;
	_ =	sdelay $0x4  }
0x97: {  	v3 =	vshll.u32 v2, $0x4  }
0x98: {  	v2 =	vand.u32 $0x7, v2;
	v3 =	vand.u32 $0xFFFFFF80, v3  }
0x99: {  	v2 =	vor.u32 v2, v3  }
0x9a: {  	v2 =	vperm.xlane v2, v0;
	_ =	sdelay $0x1  }
0x9b: {  	v2 =	vadd.s32 v1, v2;
	_ =	sdelay $0x3  }
0x9c: {  	s16 =	simm.s32 $0x0  }
0x9d: {  	[tilespmem:s24], [sflag:$0x5] =	stream.indirect_vreg.gather [hbm4b:s2+s16], $0x80, v2, vm0, $0xb8;
	[tilespmem:$0x18200] =	vst v63  }
0x9e: {  	s24 =	simm.s32 $0x10A00  }
0x9f: {  	[tilespmem:s24], [sflag:$0x5] =	stream.indirect_vreg.gather [hbm4b:s8+s16], $0x80, v2, vm0, $0xb8;
	[tilespmem:$0x18200] =	vst v63  }
0xa0: {  	s25 =	simm.s32 $0x11200  }
0xa1: {  	[tilespmem:s25], [sflag:$0x5] =	stream.indirect_vreg.gather [hbm4b:s9+s16], $0x80, v2, vm0, $0xb8;
	[tilespmem:$0x18200] =	vst v63  }
0xa2: {  	s30 =	simm.s32 $0x11A00  }
0xa3: {  	[tilespmem:s30], [sflag:$0x5] =	stream.indirect_vreg.gather [hbm4b:s10+s16], $0x80, v2, vm0, $0xb8;
	[tilespmem:$0x18200] =	vst v63  }
0xa4: {  	s1 =	simm.s32 $0x12200  }
0xa5: {  	[tilespmem:s1], [sflag:$0x5] =	stream.indirect_vreg.gather [hbm4b:s11+s16], $0x80, v2, vm0, $0xb8;
	[tilespmem:$0x18200] =	vst v63  }
0xa6: {  	s24 =	simm.s32 $0x12A00  }
0xa7: {  	[tilespmem:s24], [sflag:$0x5] =	stream.indirect_vreg.gather [hbm4b:s12+s16], $0x80, v2, vm0, $0xb8;
	[tilespmem:$0x18200] =	vst v63  }
0xa8: {  	s25 =	simm.s32 $0x13200  }
0xa9: {  	[tilespmem:s25], [sflag:$0x5] =	stream.indirect_vreg.gather [hbm4b:s13+s16], $0x80, v2, vm0, $0xb8;
	[tilespmem:$0x18200] =	vst v63  }
0xaa: {  	s30 =	simm.s32 $0x13A00  }
0xab: {  	[tilespmem:s30], [sflag:$0x5] =	stream.indirect_vreg.gather [hbm4b:s14+s16], $0x80, v2, vm0, $0xb8;
	[tilespmem:$0x18200] =	vst v63  }
0xac: {  	_ =	swait.ge [sflag:s31], $0x4000  }
0xad: {  	[sflag:s31] =	ssyncset.done $0x0  }
0xae: {  	s24 =	simm.s32 $0x4270;
	[sflag:s31] =	ssyncadd.s32 $0xFFFFC000  }
.LBB2_7:
0xaf: {  	v4 =	vld [tilespmem:s24+$0x0]  }
0xb0: {  	v6 =	vld [tilespmem:s24+$0xFFFFFFA0]  }
0xb1: {  	v8 =	vld [tilespmem:s24+$0xFFFFFFB0]  }
0xb2: {  	v5 =	vld [tilespmem:s24+$0xFFFFFFC0]  }
0xb3: {  	v3 =	vld [tilespmem:s24+$0xFFFFFFD0]  }
0xb4: {  	v2 =	vld [tilespmem:s24+$0xFFFFFFE0];
	v9 =	vmul.f32 $4.525483320e+01, v4  }
0xb5: {  	v4 =	vld [tilespmem:s24+$0xFFFFFFF0];
	v7 =	vmul.f32 $4.525483320e+01, v6  }
0xb6: {  	s1 =	simm.s32 $0x0;
	s25 =	sadd.s32 $0x400, s24;
	s0 =	smov.u32 s24;
	v6 =	vld [tilespmem:s24+$0xFFFFFF90];
	v8 =	vmul.f32 $4.525483320e+01, v8;
	[tilespmem:s24+$0x0] =	vst v9  }
.LBB2_8:
0xb7: {  	v9 =	vld [tilespmem:s25+$0x0];
	s1 =	sadd.s32 $0x8, s1;
	[tilespmem:s0+$0xFFFFFFA0] =	vst v7;
	v5 =	vmul.f32 $4.525483320e+01, v5  }
0xb8: {  	v7 =	vld [tilespmem:s25+$0xFFFFFFA0];
	p1 =	slt.u32 s1, $0x78;
	[tilespmem:s0+$0xFFFFFFB0] =	vst v8;
	v3 =	vmul.f32 $4.525483320e+01, v3  }
0xb9: {  	v8 =	vld [tilespmem:s25+$0xFFFFFFB0];
	[tilespmem:s0+$0xFFFFFFC0] =	vst v5;
	v2 =	vmul.f32 $4.525483320e+01, v2  }
.Ltmp2:
0xba: {  	v5 =	vld [tilespmem:s25+$0xFFFFFFC0];
	[tilespmem:s0+$0xFFFFFFD0] =	vst v3;
	v4 =	vmul.f32 $4.525483320e+01, v4;
	(pc) =	sbr.rel @p1 .LBB2_8-.Ltmp2, $4  }
0xbb: {  	v3 =	vld [tilespmem:s25+$0xFFFFFFD0];
	v6 =	vmul.f32 $4.525483320e+01, v6;
	[tilespmem:s0+$0xFFFFFFE0] =	vst v2  }
0xbc: {  	v2 =	vld [tilespmem:s25+$0xFFFFFFE0];
	v9 =	vmul.f32 $4.525483320e+01, v9;
	[tilespmem:s0+$0xFFFFFFF0] =	vst v4  }
0xbd: {  	v7 =	vmul.f32 $4.525483320e+01, v7;
	v4 =	vld [tilespmem:s25+$0xFFFFFFF0];
	[tilespmem:s0+$0xFFFFFF90] =	vst v6;
	s0 =	smov.u32 s25  }
0xbe: {  	s25 =	sadd.s32 $0x400, s25;
	v6 =	vld [tilespmem:s0+$0xFFFFFF90];
	v8 =	vmul.f32 $4.525483320e+01, v8;
	[tilespmem:s0+$0x0] =	vst v9  }
0xbf: {  	[tilespmem:s0+$0xFFFFFFA0] =	vst v7;
	v5 =	vmul.f32 $4.525483320e+01, v5;
	s16 =	sadd.s32 $0x1, s16  }
0xc0: {  	[tilespmem:s0+$0xFFFFFFB0] =	vst v8;
	v3 =	vmul.f32 $4.525483320e+01, v3;
	p1 =	sne.s32 s16, $0x8  }
.Ltmp3:
0xc1: {  	[tilespmem:s0+$0xFFFFFFC0] =	vst v5;
	v2 =	vmul.f32 $4.525483320e+01, v2;
	(pc) =	sbr.rel @p1 .LBB2_7-.Ltmp3, $4  }
0xc2: {  	[tilespmem:s0+$0xFFFFFFD0] =	vst v3;
	v3 =	vmul.f32 $4.525483320e+01, v4  }
0xc3: {  	v63 =	vmul.f32 $4.525483320e+01, v6;
	[tilespmem:s0+$0xFFFFFFE0] =	vst v2  }
0xc4: {  	[tilespmem:s0+$0xFFFFFFF0] =	vst v3  }
0xc5: {  	s24 =	sadd.s32 $0x80, s24;
	[tilespmem:s0+$0xFFFFFF90] =	vst v63  }
0xc6: {  	s0 =	rddreg [dreg:$0x6]  }
0xc7: {  	s0 =	sadd.s32 s17, s0  }
0xc8: {  	s0 =	sshll.u32 s0, $0xB  }
0xc9: {  	s1 =	simm.s32 $0x4200;
	s0 =	sadd.s32 s3, s0  }
0xca: {  	[hbm4b:s0+s4] =	stream.linear.scatter [tilespmem:s1], [sflag:$0x8], $0x4000, $0x38;
	[tilespmem:$0x18200] =	vst v63  }
0xcb: {  	s0 =	simm.s32 @!p0 $0xC  }
0xcc: {  	s16 =	sadd.s32 $0x5, s17;
	_ =	swait.ge @!p0 [sflag:s0], $0x4000  }
0xcd: {  	s24 =	sshll.u32 s16, $0x3;
	[sflag:s0] =	ssyncset.done @!p0 $0x0  }
0xce: {  	s25 =	sand.u32 $0x3FFFFFF8, s24;
	[sflag:s0] =	ssyncadd.s32 @!p0 $0xFFFFC000  }
0xcf: {  	v2 =	vld.msk [tilespmem:s25+$0x0], $0xff;
	_ =	sdelay $0x4  }
0xd0: {  	v3 =	vshll.u32 v2, $0x4  }
0xd1: {  	v2 =	vand.u32 $0x7, v2;
	v3 =	vand.u32 $0xFFFFFF80, v3  }
0xd2: {  	v2 =	vor.u32 v2, v3  }
0xd3: {  	v2 =	vperm.xlane v2, v0;
	_ =	sdelay $0x1  }
0xd4: {  	v2 =	vadd.s32 v1, v2;
	_ =	sdelay $0x3  }
0xd5: {  	s24 =	simm.s32 $0x0;
	s1 =	simm.s32 $0x14200  }
0xd6: {  	[tilespmem:s1], [sflag:$0x6] =	stream.indirect_vreg.gather [hbm4b:s2+s24], $0x80, v2, vm0, $0xb8;
	[tilespmem:$0x18200] =	vst v63  }
0xd7: {  	s25 =	simm.s32 $0x14A00  }
0xd8: {  	[tilespmem:s25], [sflag:$0x6] =	stream.indirect_vreg.gather [hbm4b:s8+s24], $0x80, v2, vm0, $0xb8;
	[tilespmem:$0x18200] =	vst v63  }
0xd9: {  	s1 =	simm.s32 $0x15200  }
0xda: {  	[tilespmem:s1], [sflag:$0x6] =	stream.indirect_vreg.gather [hbm4b:s9+s24], $0x80, v2, vm0, $0xb8;
	[tilespmem:$0x18200] =	vst v63  }
0xdb: {  	s25 =	simm.s32 $0x15A00  }
0xdc: {  	[tilespmem:s25], [sflag:$0x6] =	stream.indirect_vreg.gather [hbm4b:s10+s24], $0x80, v2, vm0, $0xb8;
	[tilespmem:$0x18200] =	vst v63  }
0xdd: {  	s1 =	simm.s32 $0x16200  }
0xde: {  	[tilespmem:s1], [sflag:$0x6] =	stream.indirect_vreg.gather [hbm4b:s11+s24], $0x80, v2, vm0, $0xb8;
	[tilespmem:$0x18200] =	vst v63  }
0xdf: {  	s25 =	simm.s32 $0x16A00  }
0xe0: {  	[tilespmem:s25], [sflag:$0x6] =	stream.indirect_vreg.gather [hbm4b:s12+s24], $0x80, v2, vm0, $0xb8;
	[tilespmem:$0x18200] =	vst v63  }
0xe1: {  	s1 =	simm.s32 $0x17200  }
0xe2: {  	[tilespmem:s1], [sflag:$0x6] =	stream.indirect_vreg.gather [hbm4b:s13+s24], $0x80, v2, vm0, $0xb8;
	[tilespmem:$0x18200] =	vst v63  }
0xe3: {  	s25 =	simm.s32 $0x17A00  }
0xe4: {  	[tilespmem:s25], [sflag:$0x6] =	stream.indirect_vreg.gather [hbm4b:s14+s24], $0x80, v2, vm0, $0xb8;
	[tilespmem:$0x18200] =	vst v63  }
0xe5: {  	_ =	swait.ge [sflag:s7], $0x4000  }
0xe6: {  	[sflag:s7] =	ssyncset.done $0x0  }
0xe7: {  	s30 =	simm.s32 $0x8270;
	[sflag:s7] =	ssyncadd.s32 $0xFFFFC000  }
.LBB2_11:
0xe8: {  	v4 =	vld [tilespmem:s30+$0x0]  }
0xe9: {  	v6 =	vld [tilespmem:s30+$0xFFFFFFA0]  }
0xea: {  	v8 =	vld [tilespmem:s30+$0xFFFFFFB0]  }
0xeb: {  	v5 =	vld [tilespmem:s30+$0xFFFFFFC0]  }
0xec: {  	v3 =	vld [tilespmem:s30+$0xFFFFFFD0]  }
0xed: {  	v2 =	vld [tilespmem:s30+$0xFFFFFFE0];
	v9 =	vmul.f32 $4.525483320e+01, v4  }
0xee: {  	v4 =	vld [tilespmem:s30+$0xFFFFFFF0];
	v7 =	vmul.f32 $4.525483320e+01, v6  }
0xef: {  	s1 =	simm.s32 $0x0;
	s25 =	sadd.s32 $0x400, s30;
	s0 =	smov.u32 s30;
	v6 =	vld [tilespmem:s30+$0xFFFFFF90];
	v8 =	vmul.f32 $4.525483320e+01, v8;
	[tilespmem:s30+$0x0] =	vst v9  }
.LBB2_12:
0xf0: {  	v9 =	vld [tilespmem:s25+$0x0];
	s1 =	sadd.s32 $0x8, s1;
	[tilespmem:s0+$0xFFFFFFA0] =	vst v7;
	v5 =	vmul.f32 $4.525483320e+01, v5  }
0xf1: {  	v7 =	vld [tilespmem:s25+$0xFFFFFFA0];
	p0 =	slt.u32 s1, $0x78;
	[tilespmem:s0+$0xFFFFFFB0] =	vst v8;
	v3 =	vmul.f32 $4.525483320e+01, v3  }
0xf2: {  	v8 =	vld [tilespmem:s25+$0xFFFFFFB0];
	[tilespmem:s0+$0xFFFFFFC0] =	vst v5;
	v2 =	vmul.f32 $4.525483320e+01, v2  }
.Ltmp4:
0xf3: {  	v5 =	vld [tilespmem:s25+$0xFFFFFFC0];
	[tilespmem:s0+$0xFFFFFFD0] =	vst v3;
	v4 =	vmul.f32 $4.525483320e+01, v4;
	(pc) =	sbr.rel @p0 .LBB2_12-.Ltmp4, $4  }
0xf4: {  	v3 =	vld [tilespmem:s25+$0xFFFFFFD0];
	v6 =	vmul.f32 $4.525483320e+01, v6;
	[tilespmem:s0+$0xFFFFFFE0] =	vst v2  }
0xf5: {  	v2 =	vld [tilespmem:s25+$0xFFFFFFE0];
	v9 =	vmul.f32 $4.525483320e+01, v9;
	[tilespmem:s0+$0xFFFFFFF0] =	vst v4  }
0xf6: {  	v7 =	vmul.f32 $4.525483320e+01, v7;
	v4 =	vld [tilespmem:s25+$0xFFFFFFF0];
	[tilespmem:s0+$0xFFFFFF90] =	vst v6;
	s0 =	smov.u32 s25  }
0xf7: {  	s25 =	sadd.s32 $0x400, s25;
	v6 =	vld [tilespmem:s0+$0xFFFFFF90];
	v8 =	vmul.f32 $4.525483320e+01, v8;
	[tilespmem:s0+$0x0] =	vst v9  }
0xf8: {  	[tilespmem:s0+$0xFFFFFFA0] =	vst v7;
	v5 =	vmul.f32 $4.525483320e+01, v5;
	s24 =	sadd.s32 $0x1, s24  }
0xf9: {  	[tilespmem:s0+$0xFFFFFFB0] =	vst v8;
	v3 =	vmul.f32 $4.525483320e+01, v3;
	p0 =	sne.s32 s24, $0x8  }
.Ltmp5:
0xfa: {  	[tilespmem:s0+$0xFFFFFFC0] =	vst v5;
	v2 =	vmul.f32 $4.525483320e+01, v2;
	(pc) =	sbr.rel @p0 .LBB2_11-.Ltmp5, $4  }
0xfb: {  	[tilespmem:s0+$0xFFFFFFD0] =	vst v3;
	v3 =	vmul.f32 $4.525483320e+01, v4  }
0xfc: {  	v63 =	vmul.f32 $4.525483320e+01, v6;
	[tilespmem:s0+$0xFFFFFFE0] =	vst v2  }
0xfd: {  	[tilespmem:s0+$0xFFFFFFF0] =	vst v3  }
0xfe: {  	s30 =	sadd.s32 $0x80, s30;
	[tilespmem:s0+$0xFFFFFF90] =	vst v63  }
0xff: {  	s0 =	rddreg [dreg:$0x7]  }
0x100: {  	s0 =	sadd.s32 s17, s0  }
0x101: {  	s0 =	sshll.u32 s0, $0xB  }
0x102: {  	s0 =	sand.u32 $0x1FFFF000, s0  }
0x103: {  	s24 =	simm.s32 $0x0;
	s1 =	simm.s32 $0x8200;
	s0 =	sadd.s32 s3, s0  }
0x104: {  	[hbm4b:s0+s24] =	stream.linear.scatter [tilespmem:s1], [sflag:$0x9], $0x4000, $0x38;
	[tilespmem:$0x18200] =	vst v63  }
0x105: {  	s1 =	smul.u32 $0xC0, s5;
	_ =	swait.ge [sflag:s19], $0x4000  }
0x106: {  	[sflag:s19] =	ssyncset.done $0x0  }
0x107: {  	s30 =	sshra.s32 s1, $0x2;
	[sflag:s19] =	ssyncadd.s32 $0xFFFFC000  }
0x108: {  	v2 =	vld.msk [tilespmem:s30+$0x30], $0xff;
	_ =	sdelay $0x4  }
0x109: {  	v3 =	vshll.u32 v2, $0x4  }
0x10a: {  	v2 =	vand.u32 $0x7, v2;
	v3 =	vand.u32 $0xFFFFFF80, v3  }
0x10b: {  	v2 =	vor.u32 v2, v3  }
0x10c: {  	v2 =	vperm.xlane v2, v0;
	_ =	sdelay $0x1  }
0x10d: {  	v2 =	vadd.s32 v1, v2;
	_ =	sdelay $0x4  }
0x10e: {  	[tilespmem:s18], [sflag:$0x1] =	stream.indirect_vreg.gather [hbm4b:s2+s24], $0x80, v2, vm0, $0xb8;
	[tilespmem:$0x18200] =	vst v63  }
0x10f: {  	s25 =	simm.s32 $0xA00  }
0x110: {  	[tilespmem:s25], [sflag:$0x1] =	stream.indirect_vreg.gather [hbm4b:s8+s24], $0x80, v2, vm0, $0xb8;
	[tilespmem:$0x18200] =	vst v63  }
0x111: {  	s1 =	simm.s32 $0x1200  }
0x112: {  	[tilespmem:s1], [sflag:$0x1] =	stream.indirect_vreg.gather [hbm4b:s9+s24], $0x80, v2, vm0, $0xb8;
	[tilespmem:$0x18200] =	vst v63  }
0x113: {  	s18 =	simm.s32 $0x1A00  }
0x114: {  	[tilespmem:s18], [sflag:$0x1] =	stream.indirect_vreg.gather [hbm4b:s10+s24], $0x80, v2, vm0, $0xb8;
	[tilespmem:$0x18200] =	vst v63  }
0x115: {  	s25 =	simm.s32 $0x2200  }
0x116: {  	[tilespmem:s25], [sflag:$0x1] =	stream.indirect_vreg.gather [hbm4b:s11+s24], $0x80, v2, vm0, $0xb8;
	[tilespmem:$0x18200] =	vst v63  }
0x117: {  	s1 =	simm.s32 $0x2A00  }
0x118: {  	[tilespmem:s1], [sflag:$0x1] =	stream.indirect_vreg.gather [hbm4b:s12+s24], $0x80, v2, vm0, $0xb8;
	[tilespmem:$0x18200] =	vst v63  }
0x119: {  	s18 =	simm.s32 $0x3200  }
0x11a: {  	[tilespmem:s18], [sflag:$0x1] =	stream.indirect_vreg.gather [hbm4b:s13+s24], $0x80, v2, vm0, $0xb8;
	[tilespmem:$0x18200] =	vst v63  }
0x11b: {  	s25 =	simm.s32 $0x3A00  }
0x11c: {  	[tilespmem:s25], [sflag:$0x1] =	stream.indirect_vreg.gather [hbm4b:s14+s24], $0x80, v2, vm0, $0xb8;
	[tilespmem:$0x18200] =	vst v63  }
0x11d: {  	_ =	swait.ge [sflag:s20], $0x4000  }
0x11e: {  	[sflag:s20] =	ssyncset.done $0x0  }
0x11f: {  	s1 =	simm.s32 $0xC270;
	[sflag:s20] =	ssyncadd.s32 $0xFFFFC000  }
.LBB2_15:
0x120: {  	v4 =	vld [tilespmem:s1+$0x0]  }
0x121: {  	v6 =	vld [tilespmem:s1+$0xFFFFFFA0]  }
0x122: {  	v8 =	vld [tilespmem:s1+$0xFFFFFFB0]  }
0x123: {  	v5 =	vld [tilespmem:s1+$0xFFFFFFC0]  }
0x124: {  	v3 =	vld [tilespmem:s1+$0xFFFFFFD0]  }
0x125: {  	v2 =	vld [tilespmem:s1+$0xFFFFFFE0];
	v9 =	vmul.f32 $4.525483320e+01, v4  }
0x126: {  	v4 =	vld [tilespmem:s1+$0xFFFFFFF0];
	v7 =	vmul.f32 $4.525483320e+01, v6  }
0x127: {  	s25 =	simm.s32 $0x0;
	s18 =	sadd.s32 $0x400, s1;
	s0 =	smov.u32 s1;
	v6 =	vld [tilespmem:s1+$0xFFFFFF90];
	v8 =	vmul.f32 $4.525483320e+01, v8;
	[tilespmem:s1+$0x0] =	vst v9  }
.LBB2_16:
0x128: {  	v9 =	vld [tilespmem:s18+$0x0];
	s25 =	sadd.s32 $0x8, s25;
	[tilespmem:s0+$0xFFFFFFA0] =	vst v7;
	v5 =	vmul.f32 $4.525483320e+01, v5  }
0x129: {  	v7 =	vld [tilespmem:s18+$0xFFFFFFA0];
	p0 =	slt.u32 s25, $0x78;
	[tilespmem:s0+$0xFFFFFFB0] =	vst v8;
	v3 =	vmul.f32 $4.525483320e+01, v3  }
0x12a: {  	v8 =	vld [tilespmem:s18+$0xFFFFFFB0];
	[tilespmem:s0+$0xFFFFFFC0] =	vst v5;
	v2 =	vmul.f32 $4.525483320e+01, v2  }
.Ltmp6:
0x12b: {  	v5 =	vld [tilespmem:s18+$0xFFFFFFC0];
	[tilespmem:s0+$0xFFFFFFD0] =	vst v3;
	v4 =	vmul.f32 $4.525483320e+01, v4;
	(pc) =	sbr.rel @p0 .LBB2_16-.Ltmp6, $4  }
0x12c: {  	v3 =	vld [tilespmem:s18+$0xFFFFFFD0];
	v6 =	vmul.f32 $4.525483320e+01, v6;
	[tilespmem:s0+$0xFFFFFFE0] =	vst v2  }
0x12d: {  	v2 =	vld [tilespmem:s18+$0xFFFFFFE0];
	v9 =	vmul.f32 $4.525483320e+01, v9;
	[tilespmem:s0+$0xFFFFFFF0] =	vst v4  }
0x12e: {  	v7 =	vmul.f32 $4.525483320e+01, v7;
	v4 =	vld [tilespmem:s18+$0xFFFFFFF0];
	[tilespmem:s0+$0xFFFFFF90] =	vst v6;
	s0 =	smov.u32 s18  }
0x12f: {  	s18 =	sadd.s32 $0x400, s18;
	v6 =	vld [tilespmem:s0+$0xFFFFFF90];
	v8 =	vmul.f32 $4.525483320e+01, v8;
	[tilespmem:s0+$0x0] =	vst v9  }
0x130: {  	[tilespmem:s0+$0xFFFFFFA0] =	vst v7;
	v5 =	vmul.f32 $4.525483320e+01, v5;
	s24 =	sadd.s32 $0x1, s24  }
0x131: {  	[tilespmem:s0+$0xFFFFFFB0] =	vst v8;
	v3 =	vmul.f32 $4.525483320e+01, v3;
	p0 =	sne.s32 s24, $0x8  }
.Ltmp7:
0x132: {  	[tilespmem:s0+$0xFFFFFFC0] =	vst v5;
	v2 =	vmul.f32 $4.525483320e+01, v2;
	(pc) =	sbr.rel @p0 .LBB2_15-.Ltmp7, $4  }
0x133: {  	[tilespmem:s0+$0xFFFFFFD0] =	vst v3;
	v3 =	vmul.f32 $4.525483320e+01, v4  }
0x134: {  	v63 =	vmul.f32 $4.525483320e+01, v6;
	[tilespmem:s0+$0xFFFFFFE0] =	vst v2  }
0x135: {  	[tilespmem:s0+$0xFFFFFFF0] =	vst v3  }
0x136: {  	s1 =	sadd.s32 $0x80, s1;
	[tilespmem:s0+$0xFFFFFF90] =	vst v63  }
0x137: {  	s0 =	rddreg [dreg:$0x8]  }
0x138: {  	s0 =	sadd.s32 s17, s0  }
0x139: {  	s0 =	sshll.u32 s0, $0xB  }
0x13a: {  	s25 =	simm.s32 $0xC200;
	s17 =	simm.s32 $0x0;
	s0 =	sadd.s32 s3, s0  }
0x13b: {  	[hbm4b:s0+s17] =	stream.linear.scatter [tilespmem:s25], [sflag:$0xA], $0x4000, $0x38;
	[tilespmem:$0x18200] =	vst v63  }
0x13c: {  	_ =	swait.ge [sflag:s21], $0x4000  }
0x13d: {  	[sflag:s21] =	ssyncset.done $0x0  }
0x13e: {  	[sflag:s21] =	ssyncadd.s32 $0xFFFFC000  }
0x13f: {  	v2 =	vld.msk [tilespmem:s30+$0x38], $0xff;
	_ =	sdelay $0x4  }
0x140: {  	v3 =	vshll.u32 v2, $0x4  }
0x141: {  	v2 =	vand.u32 $0x7, v2;
	v3 =	vand.u32 $0xFFFFFF80, v3  }
0x142: {  	v2 =	vor.u32 v2, v3  }
0x143: {  	v2 =	vperm.xlane v2, v0;
	_ =	sdelay $0x1  }
0x144: {  	v2 =	vadd.s32 v1, v2;
	_ =	sdelay $0x3  }
0x145: {  	s18 =	simm.s32 $0x4200  }
0x146: {  	[tilespmem:s18], [sflag:$0x2] =	stream.indirect_vreg.gather [hbm4b:s2+s17], $0x80, v2, vm0, $0xb8;
	[tilespmem:$0x18200] =	vst v63  }
0x147: {  	s24 =	simm.s32 $0x4A00  }
0x148: {  	[tilespmem:s24], [sflag:$0x2] =	stream.indirect_vreg.gather [hbm4b:s8+s17], $0x80, v2, vm0, $0xb8;
	[tilespmem:$0x18200] =	vst v63  }
0x149: {  	s1 =	simm.s32 $0x5200  }
0x14a: {  	[tilespmem:s1], [sflag:$0x2] =	stream.indirect_vreg.gather [hbm4b:s9+s17], $0x80, v2, vm0, $0xb8;
	[tilespmem:$0x18200] =	vst v63  }
0x14b: {  	s18 =	simm.s32 $0x5A00  }
0x14c: {  	[tilespmem:s18], [sflag:$0x2] =	stream.indirect_vreg.gather [hbm4b:s10+s17], $0x80, v2, vm0, $0xb8;
	[tilespmem:$0x18200] =	vst v63  }
0x14d: {  	s24 =	simm.s32 $0x6200  }
0x14e: {  	[tilespmem:s24], [sflag:$0x2] =	stream.indirect_vreg.gather [hbm4b:s11+s17], $0x80, v2, vm0, $0xb8;
	[tilespmem:$0x18200] =	vst v63  }
0x14f: {  	s1 =	simm.s32 $0x6A00  }
0x150: {  	[tilespmem:s1], [sflag:$0x2] =	stream.indirect_vreg.gather [hbm4b:s12+s17], $0x80, v2, vm0, $0xb8;
	[tilespmem:$0x18200] =	vst v63  }
0x151: {  	s18 =	simm.s32 $0x7200  }
0x152: {  	[tilespmem:s18], [sflag:$0x2] =	stream.indirect_vreg.gather [hbm4b:s13+s17], $0x80, v2, vm0, $0xb8;
	[tilespmem:$0x18200] =	vst v63  }
0x153: {  	s24 =	simm.s32 $0x7A00  }
0x154: {  	[tilespmem:s24], [sflag:$0x2] =	stream.indirect_vreg.gather [hbm4b:s14+s17], $0x80, v2, vm0, $0xb8;
	[tilespmem:$0x18200] =	vst v63  }
0x155: {  	_ =	swait.ge [sflag:s22], $0x4000  }
0x156: {  	[sflag:s22] =	ssyncset.done $0x0  }
0x157: {  	s0 =	simm.s32 $0x10270;
	[sflag:s22] =	ssyncadd.s32 $0xFFFFC000  }
.LBB2_19:
0x158: {  	v4 =	vld [tilespmem:s0+$0x0]  }
0x159: {  	v6 =	vld [tilespmem:s0+$0xFFFFFFA0]  }
0x15a: {  	v8 =	vld [tilespmem:s0+$0xFFFFFFB0]  }
0x15b: {  	v5 =	vld [tilespmem:s0+$0xFFFFFFC0]  }
0x15c: {  	v3 =	vld [tilespmem:s0+$0xFFFFFFD0]  }
0x15d: {  	v2 =	vld [tilespmem:s0+$0xFFFFFFE0];
	v9 =	vmul.f32 $4.525483320e+01, v4  }
0x15e: {  	v4 =	vld [tilespmem:s0+$0xFFFFFFF0];
	v7 =	vmul.f32 $4.525483320e+01, v6  }
0x15f: {  	s24 =	simm.s32 $0x0;
	s18 =	sadd.s32 $0x400, s0;
	s1 =	smov.u32 s0;
	v6 =	vld [tilespmem:s0+$0xFFFFFF90];
	v8 =	vmul.f32 $4.525483320e+01, v8;
	[tilespmem:s0+$0x0] =	vst v9  }
.LBB2_20:
0x160: {  	v9 =	vld [tilespmem:s18+$0x0];
	s24 =	sadd.s32 $0x8, s24;
	[tilespmem:s1+$0xFFFFFFA0] =	vst v7;
	v5 =	vmul.f32 $4.525483320e+01, v5  }
0x161: {  	v7 =	vld [tilespmem:s18+$0xFFFFFFA0];
	p0 =	slt.u32 s24, $0x78;
	[tilespmem:s1+$0xFFFFFFB0] =	vst v8;
	v3 =	vmul.f32 $4.525483320e+01, v3  }
0x162: {  	v8 =	vld [tilespmem:s18+$0xFFFFFFB0];
	[tilespmem:s1+$0xFFFFFFC0] =	vst v5;
	v2 =	vmul.f32 $4.525483320e+01, v2  }
.Ltmp8:
0x163: {  	v5 =	vld [tilespmem:s18+$0xFFFFFFC0];
	[tilespmem:s1+$0xFFFFFFD0] =	vst v3;
	v4 =	vmul.f32 $4.525483320e+01, v4;
	(pc) =	sbr.rel @p0 .LBB2_20-.Ltmp8, $4  }
0x164: {  	v3 =	vld [tilespmem:s18+$0xFFFFFFD0];
	v6 =	vmul.f32 $4.525483320e+01, v6;
	[tilespmem:s1+$0xFFFFFFE0] =	vst v2  }
0x165: {  	v2 =	vld [tilespmem:s18+$0xFFFFFFE0];
	v9 =	vmul.f32 $4.525483320e+01, v9;
	[tilespmem:s1+$0xFFFFFFF0] =	vst v4  }
0x166: {  	v7 =	vmul.f32 $4.525483320e+01, v7;
	v4 =	vld [tilespmem:s18+$0xFFFFFFF0];
	[tilespmem:s1+$0xFFFFFF90] =	vst v6;
	s1 =	smov.u32 s18  }
0x167: {  	s18 =	sadd.s32 $0x400, s18;
	v6 =	vld [tilespmem:s1+$0xFFFFFF90];
	v8 =	vmul.f32 $4.525483320e+01, v8;
	[tilespmem:s1+$0x0] =	vst v9  }
0x168: {  	[tilespmem:s1+$0xFFFFFFA0] =	vst v7;
	v5 =	vmul.f32 $4.525483320e+01, v5;
	s17 =	sadd.s32 $0x1, s17  }
0x169: {  	[tilespmem:s1+$0xFFFFFFB0] =	vst v8;
	v3 =	vmul.f32 $4.525483320e+01, v3;
	p0 =	sne.s32 s17, $0x8  }
.Ltmp9:
0x16a: {  	[tilespmem:s1+$0xFFFFFFC0] =	vst v5;
	v2 =	vmul.f32 $4.525483320e+01, v2;
	(pc) =	sbr.rel @p0 .LBB2_19-.Ltmp9, $4  }
0x16b: {  	[tilespmem:s1+$0xFFFFFFD0] =	vst v3;
	v3 =	vmul.f32 $4.525483320e+01, v4  }
0x16c: {  	v63 =	vmul.f32 $4.525483320e+01, v6;
	[tilespmem:s1+$0xFFFFFFE0] =	vst v2  }
0x16d: {  	[tilespmem:s1+$0xFFFFFFF0] =	vst v3  }
0x16e: {  	s0 =	sadd.s32 $0x80, s0;
	[tilespmem:s1+$0xFFFFFF90] =	vst v63  }
0x16f: {  	s0 =	sadd.s32 s6, s15  }
0x170: {  	s0 =	sshll.u32 s0, $0xB  }
0x171: {  	s0 =	sand.u32 $0x1FFFF000, s0  }
0x172: {  	s15 =	simm.s32 $0x0;
	s24 =	simm.s32 $0x10200;
	s0 =	sadd.s32 s3, s0  }
0x173: {  	[hbm4b:s0+s15] =	stream.linear.scatter [tilespmem:s24], [sflag:$0xB], $0x4000, $0x38;
	[tilespmem:$0x18200] =	vst v63  }
0x174: {  	_ =	swait.ge [sflag:s23], $0x4000  }
0x175: {  	[sflag:s23] =	ssyncset.done $0x0  }
0x176: {  	[sflag:s23] =	ssyncadd.s32 $0xFFFFC000  }
0x177: {  	v2 =	vld.msk [tilespmem:s30+$0x40], $0xff;
	_ =	sdelay $0x4  }
0x178: {  	v3 =	vshll.u32 v2, $0x4  }
0x179: {  	v2 =	vand.u32 $0x7, v2;
	v3 =	vand.u32 $0xFFFFFF80, v3  }
0x17a: {  	v2 =	vor.u32 v2, v3  }
0x17b: {  	v2 =	vperm.xlane v2, v0;
	_ =	sdelay $0x1  }
0x17c: {  	v2 =	vadd.s32 v1, v2;
	_ =	sdelay $0x3  }
0x17d: {  	s17 =	simm.s32 $0x8200  }
0x17e: {  	[tilespmem:s17], [sflag:$0x3] =	stream.indirect_vreg.gather [hbm4b:s2+s15], $0x80, v2, vm0, $0xb8;
	[tilespmem:$0x18200] =	vst v63  }
0x17f: {  	s18 =	simm.s32 $0x8A00  }
0x180: {  	[tilespmem:s18], [sflag:$0x3] =	stream.indirect_vreg.gather [hbm4b:s8+s15], $0x80, v2, vm0, $0xb8;
	[tilespmem:$0x18200] =	vst v63  }
0x181: {  	s1 =	simm.s32 $0x9200  }
0x182: {  	[tilespmem:s1], [sflag:$0x3] =	stream.indirect_vreg.gather [hbm4b:s9+s15], $0x80, v2, vm0, $0xb8;
	[tilespmem:$0x18200] =	vst v63  }
0x183: {  	s17 =	simm.s32 $0x9A00  }
0x184: {  	[tilespmem:s17], [sflag:$0x3] =	stream.indirect_vreg.gather [hbm4b:s10+s15], $0x80, v2, vm0, $0xb8;
	[tilespmem:$0x18200] =	vst v63  }
0x185: {  	s18 =	simm.s32 $0xA200  }
0x186: {  	[tilespmem:s18], [sflag:$0x3] =	stream.indirect_vreg.gather [hbm4b:s11+s15], $0x80, v2, vm0, $0xb8;
	[tilespmem:$0x18200] =	vst v63  }
0x187: {  	s1 =	simm.s32 $0xAA00  }
0x188: {  	[tilespmem:s1], [sflag:$0x3] =	stream.indirect_vreg.gather [hbm4b:s12+s15], $0x80, v2, vm0, $0xb8;
	[tilespmem:$0x18200] =	vst v63  }
0x189: {  	s17 =	simm.s32 $0xB200  }
0x18a: {  	[tilespmem:s17], [sflag:$0x3] =	stream.indirect_vreg.gather [hbm4b:s13+s15], $0x80, v2, vm0, $0xb8;
	[tilespmem:$0x18200] =	vst v63  }
0x18b: {  	s18 =	simm.s32 $0xBA00  }
0x18c: {  	[tilespmem:s18], [sflag:$0x3] =	stream.indirect_vreg.gather [hbm4b:s14+s15], $0x80, v2, vm0, $0xb8;
	[tilespmem:$0x18200] =	vst v63  }
0x18d: {  	_ =	swait.ge [sflag:s26], $0x4000  }
0x18e: {  	[sflag:s26] =	ssyncset.done $0x0  }
0x18f: {  	s0 =	simm.s32 $0x14270;
	[sflag:s26] =	ssyncadd.s32 $0xFFFFC000  }
.LBB2_23:
0x190: {  	v4 =	vld [tilespmem:s0+$0x0]  }
0x191: {  	v6 =	vld [tilespmem:s0+$0xFFFFFFA0]  }
0x192: {  	v8 =	vld [tilespmem:s0+$0xFFFFFFB0]  }
0x193: {  	v5 =	vld [tilespmem:s0+$0xFFFFFFC0]  }
0x194: {  	v3 =	vld [tilespmem:s0+$0xFFFFFFD0]  }
0x195: {  	v2 =	vld [tilespmem:s0+$0xFFFFFFE0];
	v9 =	vmul.f32 $4.525483320e+01, v4  }
0x196: {  	v4 =	vld [tilespmem:s0+$0xFFFFFFF0];
	v7 =	vmul.f32 $4.525483320e+01, v6  }
0x197: {  	s17 =	simm.s32 $0x0;
	s18 =	sadd.s32 $0x400, s0;
	s1 =	smov.u32 s0;
	v6 =	vld [tilespmem:s0+$0xFFFFFF90];
	v8 =	vmul.f32 $4.525483320e+01, v8;
	[tilespmem:s0+$0x0] =	vst v9  }
.LBB2_24:
0x198: {  	v9 =	vld [tilespmem:s18+$0x0];
	s17 =	sadd.s32 $0x8, s17;
	[tilespmem:s1+$0xFFFFFFA0] =	vst v7;
	v5 =	vmul.f32 $4.525483320e+01, v5  }
0x199: {  	v7 =	vld [tilespmem:s18+$0xFFFFFFA0];
	p0 =	slt.u32 s17, $0x78;
	[tilespmem:s1+$0xFFFFFFB0] =	vst v8;
	v3 =	vmul.f32 $4.525483320e+01, v3  }
0x19a: {  	v8 =	vld [tilespmem:s18+$0xFFFFFFB0];
	[tilespmem:s1+$0xFFFFFFC0] =	vst v5;
	v2 =	vmul.f32 $4.525483320e+01, v2  }
.Ltmp10:
0x19b: {  	v5 =	vld [tilespmem:s18+$0xFFFFFFC0];
	[tilespmem:s1+$0xFFFFFFD0] =	vst v3;
	v4 =	vmul.f32 $4.525483320e+01, v4;
	(pc) =	sbr.rel @p0 .LBB2_24-.Ltmp10, $4  }
0x19c: {  	v3 =	vld [tilespmem:s18+$0xFFFFFFD0];
	v6 =	vmul.f32 $4.525483320e+01, v6;
	[tilespmem:s1+$0xFFFFFFE0] =	vst v2  }
0x19d: {  	v2 =	vld [tilespmem:s18+$0xFFFFFFE0];
	v9 =	vmul.f32 $4.525483320e+01, v9;
	[tilespmem:s1+$0xFFFFFFF0] =	vst v4  }
0x19e: {  	v7 =	vmul.f32 $4.525483320e+01, v7;
	v4 =	vld [tilespmem:s18+$0xFFFFFFF0];
	[tilespmem:s1+$0xFFFFFF90] =	vst v6;
	s1 =	smov.u32 s18  }
0x19f: {  	s18 =	sadd.s32 $0x400, s18;
	v6 =	vld [tilespmem:s1+$0xFFFFFF90];
	v8 =	vmul.f32 $4.525483320e+01, v8;
	[tilespmem:s1+$0x0] =	vst v9  }
0x1a0: {  	[tilespmem:s1+$0xFFFFFFA0] =	vst v7;
	v5 =	vmul.f32 $4.525483320e+01, v5;
	s15 =	sadd.s32 $0x1, s15  }
0x1a1: {  	[tilespmem:s1+$0xFFFFFFB0] =	vst v8;
	v3 =	vmul.f32 $4.525483320e+01, v3;
	p0 =	sne.s32 s15, $0x8  }
.Ltmp11:
0x1a2: {  	[tilespmem:s1+$0xFFFFFFC0] =	vst v5;
	v2 =	vmul.f32 $4.525483320e+01, v2;
	(pc) =	sbr.rel @p0 .LBB2_23-.Ltmp11, $4  }
0x1a3: {  	[tilespmem:s1+$0xFFFFFFD0] =	vst v3;
	v3 =	vmul.f32 $4.525483320e+01, v4  }
0x1a4: {  	v63 =	vmul.f32 $4.525483320e+01, v6;
	[tilespmem:s1+$0xFFFFFFE0] =	vst v2  }
0x1a5: {  	[tilespmem:s1+$0xFFFFFFF0] =	vst v3  }
0x1a6: {  	s0 =	sadd.s32 $0x80, s0;
	[tilespmem:s1+$0xFFFFFF90] =	vst v63  }
0x1a7: {  	s0 =	sadd.s32 s6, s16  }
0x1a8: {  	s0 =	sshll.u32 s0, $0xB  }
0x1a9: {  	s1 =	simm.s32 $0x14200;
	s0 =	sadd.s32 s3, s0  }
0x1aa: {  	[hbm4b:s0+s4] =	stream.linear.scatter [tilespmem:s1], [sflag:$0xC], $0x4000, $0x38;
	[tilespmem:$0x18200] =	vst v63  }
0x1ab: {  	_ =	swait.ge [sflag:s28], $0x4000  }
0x1ac: {  	[sflag:s28] =	ssyncset.done $0x0  }
0x1ad: {  	[sflag:s28] =	ssyncadd.s32 $0xFFFFC000  }
0x1ae: {  	v2 =	vld.msk [tilespmem:s30+$0x48], $0xff;
	_ =	sdelay $0x4  }
0x1af: {  	v3 =	vshll.u32 v2, $0x4  }
0x1b0: {  	v2 =	vand.u32 $0x7, v2;
	v3 =	vand.u32 $0xFFFFFF80, v3  }
0x1b1: {  	v2 =	vor.u32 v2, v3  }
0x1b2: {  	v2 =	vperm.xlane v2, v0;
	_ =	sdelay $0x1  }
0x1b3: {  	v2 =	vadd.s32 v1, v2;
	_ =	sdelay $0x4  }
0x1b4: {  	[tilespmem:s25], [sflag:$0x4] =	stream.indirect_vreg.gather [hbm4b:s2+s4], $0x80, v2, vm0, $0xb8;
	[tilespmem:$0x18200] =	vst v63  }
0x1b5: {  	s30 =	simm.s32 $0xCA00  }
0x1b6: {  	[tilespmem:s30], [sflag:$0x4] =	stream.indirect_vreg.gather [hbm4b:s8+s4], $0x80, v2, vm0, $0xb8;
	[tilespmem:$0x18200] =	vst v63  }
0x1b7: {  	s1 =	simm.s32 $0xD200  }
0x1b8: {  	[tilespmem:s1], [sflag:$0x4] =	stream.indirect_vreg.gather [hbm4b:s9+s4], $0x80, v2, vm0, $0xb8;
	[tilespmem:$0x18200] =	vst v63  }
0x1b9: {  	s15 =	simm.s32 $0xDA00  }
0x1ba: {  	[tilespmem:s15], [sflag:$0x4] =	stream.indirect_vreg.gather [hbm4b:s10+s4], $0x80, v2, vm0, $0xb8;
	[tilespmem:$0x18200] =	vst v63  }
0x1bb: {  	s16 =	simm.s32 $0xE200;
	s5 =	sadd.s32 $0x1, s5  }
0x1bc: {  	[tilespmem:s16], [sflag:$0x4] =	stream.indirect_vreg.gather [hbm4b:s11+s4], $0x80, v2, vm0, $0xb8;
	[tilespmem:$0x18200] =	vst v63  }
0x1bd: {  	s17 =	simm.s32 $0xEA00;
	p0 =	sne.s32 s5, $0xA  }
0x1be: {  	[tilespmem:s17], [sflag:$0x4] =	stream.indirect_vreg.gather [hbm4b:s12+s4], $0x80, v2, vm0, $0xb8;
	[tilespmem:$0x18200] =	vst v63  }
.Ltmp12:
0x1bf: {  	_ = 	snop;
	(pc) =	sbr.rel @p0 .LBB2_2-.Ltmp12, $4  }
0x1c0: {  	s18 =	simm.s32 $0xF200  }
0x1c1: {  	[tilespmem:s18], [sflag:$0x4] =	stream.indirect_vreg.gather [hbm4b:s13+s4], $0x80, v2, vm0, $0xb8;
	[tilespmem:$0x18200] =	vst v63  }
0x1c2: {  	s30 =	simm.s32 $0xFA00;
	s18 =	simm.s32 $0x200  }
0x1c3: {  	[tilespmem:s30], [sflag:$0x4] =	stream.indirect_vreg.gather [hbm4b:s14+s4], $0x80, v2, vm0, $0xb8;
	[tilespmem:$0x18200] =	vst v63  }
0x1c4: {  	_ =	swait.ge [sflag:s29], $0x4000  }
0x1c5: {  	[sflag:s29] =	ssyncset.done $0x0  }
0x1c6: {  	s5 =	simm.s32 $0x0;
	s0 =	simm.s32 $0x240;
	[sflag:s29] =	ssyncadd.s32 $0xFFFFC000  }
.LBB2_28:
0x1c7: {  	v4 =	vld [tilespmem:s0+$0x30]  }
0x1c8: {  	v6 =	vld [tilespmem:s0+$0xFFFFFFD0]  }
0x1c9: {  	v8 =	vld [tilespmem:s0+$0xFFFFFFE0]  }
0x1ca: {  	v5 =	vld [tilespmem:s0+$0xFFFFFFF0]  }
0x1cb: {  	v3 =	vld [tilespmem:s0+$0x0]  }
0x1cc: {  	v2 =	vld [tilespmem:s0+$0x10];
	v9 =	vmul.f32 $4.525483320e+01, v4  }
0x1cd: {  	v4 =	vld [tilespmem:s0+$0x20];
	v7 =	vmul.f32 $4.525483320e+01, v6  }
0x1ce: {  	s15 =	simm.s32 $0x0;
	s16 =	sadd.s32 $0x400, s0;
	s1 =	smov.u32 s0;
	v6 =	vld [tilespmem:s0+$0xFFFFFFC0];
	v8 =	vmul.f32 $4.525483320e+01, v8;
	[tilespmem:s0+$0x30] =	vst v9  }
.LBB2_29:
0x1cf: {  	v9 =	vld [tilespmem:s16+$0x30];
	s15 =	sadd.s32 $0x8, s15;
	[tilespmem:s1+$0xFFFFFFD0] =	vst v7;
	v5 =	vmul.f32 $4.525483320e+01, v5  }
0x1d0: {  	v7 =	vld [tilespmem:s16+$0xFFFFFFD0];
	p0 =	slt.u32 s15, $0x78;
	[tilespmem:s1+$0xFFFFFFE0] =	vst v8;
	v3 =	vmul.f32 $4.525483320e+01, v3  }
0x1d1: {  	v8 =	vld [tilespmem:s16+$0xFFFFFFE0];
	[tilespmem:s1+$0xFFFFFFF0] =	vst v5;
	v2 =	vmul.f32 $4.525483320e+01, v2  }
.Ltmp13:
0x1d2: {  	v5 =	vld [tilespmem:s16+$0xFFFFFFF0];
	[tilespmem:s1+$0x0] =	vst v3;
	v4 =	vmul.f32 $4.525483320e+01, v4;
	(pc) =	sbr.rel @p0 .LBB2_29-.Ltmp13, $4  }
0x1d3: {  	v3 =	vld [tilespmem:s16+$0x0];
	v6 =	vmul.f32 $4.525483320e+01, v6;
	[tilespmem:s1+$0x10] =	vst v2  }
0x1d4: {  	v2 =	vld [tilespmem:s16+$0x10];
	v9 =	vmul.f32 $4.525483320e+01, v9;
	[tilespmem:s1+$0x20] =	vst v4  }
0x1d5: {  	v7 =	vmul.f32 $4.525483320e+01, v7;
	v4 =	vld [tilespmem:s16+$0x20];
	[tilespmem:s1+$0xFFFFFFC0] =	vst v6;
	s1 =	smov.u32 s16  }
0x1d6: {  	s16 =	sadd.s32 $0x400, s16;
	v6 =	vld [tilespmem:s1+$0xFFFFFFC0];
	v8 =	vmul.f32 $4.525483320e+01, v8;
	[tilespmem:s1+$0x30] =	vst v9  }
0x1d7: {  	[tilespmem:s1+$0xFFFFFFD0] =	vst v7;
	v5 =	vmul.f32 $4.525483320e+01, v5;
	s5 =	sadd.s32 $0x1, s5  }
0x1d8: {  	[tilespmem:s1+$0xFFFFFFE0] =	vst v8;
	v3 =	vmul.f32 $4.525483320e+01, v3;
	p0 =	sne.s32 s5, $0x8  }
.Ltmp14:
0x1d9: {  	[tilespmem:s1+$0xFFFFFFF0] =	vst v5;
	v2 =	vmul.f32 $4.525483320e+01, v2;
	(pc) =	sbr.rel @p0 .LBB2_28-.Ltmp14, $4  }
0x1da: {  	[tilespmem:s1+$0x0] =	vst v3;
	v3 =	vmul.f32 $4.525483320e+01, v4  }
0x1db: {  	v63 =	vmul.f32 $4.525483320e+01, v6;
	[tilespmem:s1+$0x10] =	vst v2  }
0x1dc: {  	[tilespmem:s1+$0x20] =	vst v3  }
0x1dd: {  	s0 =	sadd.s32 $0x80, s0;
	[tilespmem:s1+$0xFFFFFFC0] =	vst v63  }
0x1de: {  	s5 =	simm.s32 $0x0;
	s0 =	rddreg [dreg:$0x9];
	s30 =	simm.s32 $0xB  }
0x1df: {  	[hbm4b:s0+s5] =	stream.linear.scatter [tilespmem:s18], [sflag:$0x7], $0x4000, $0x38;
	[tilespmem:$0x18200] =	vst v63  }
0x1e0: {  	_ =	swait.ge [sflag:s30], $0x4000  }
0x1e1: {  	[sflag:s30] =	ssyncset.done $0x0  }
0x1e2: {  	[sflag:s30] =	ssyncadd.s32 $0xFFFFC000  }
0x1e3: {  	_ =	swait.ge [sflag:s31], $0x4000  }
0x1e4: {  	[sflag:s31] =	ssyncset.done $0x0  }
0x1e5: {  	s0 =	simm.s32 $0x4270;
	[sflag:s31] =	ssyncadd.s32 $0xFFFFC000  }
.LBB2_32:
0x1e6: {  	v4 =	vld [tilespmem:s0+$0x0]  }
0x1e7: {  	v6 =	vld [tilespmem:s0+$0xFFFFFFA0]  }
0x1e8: {  	v8 =	vld [tilespmem:s0+$0xFFFFFFB0]  }
0x1e9: {  	v5 =	vld [tilespmem:s0+$0xFFFFFFC0]  }
0x1ea: {  	v3 =	vld [tilespmem:s0+$0xFFFFFFD0]  }
0x1eb: {  	v2 =	vld [tilespmem:s0+$0xFFFFFFE0];
	v9 =	vmul.f32 $4.525483320e+01, v4  }
0x1ec: {  	v4 =	vld [tilespmem:s0+$0xFFFFFFF0];
	v7 =	vmul.f32 $4.525483320e+01, v6  }
0x1ed: {  	s15 =	simm.s32 $0x0;
	s16 =	sadd.s32 $0x400, s0;
	s1 =	smov.u32 s0;
	v6 =	vld [tilespmem:s0+$0xFFFFFF90];
	v8 =	vmul.f32 $4.525483320e+01, v8;
	[tilespmem:s0+$0x0] =	vst v9  }
.LBB2_33:
0x1ee: {  	v9 =	vld [tilespmem:s16+$0x0];
	s15 =	sadd.s32 $0x8, s15;
	[tilespmem:s1+$0xFFFFFFA0] =	vst v7;
	v5 =	vmul.f32 $4.525483320e+01, v5  }
0x1ef: {  	v7 =	vld [tilespmem:s16+$0xFFFFFFA0];
	p0 =	slt.u32 s15, $0x78;
	[tilespmem:s1+$0xFFFFFFB0] =	vst v8;
	v3 =	vmul.f32 $4.525483320e+01, v3  }
0x1f0: {  	v8 =	vld [tilespmem:s16+$0xFFFFFFB0];
	[tilespmem:s1+$0xFFFFFFC0] =	vst v5;
	v2 =	vmul.f32 $4.525483320e+01, v2  }
.Ltmp15:
0x1f1: {  	v5 =	vld [tilespmem:s16+$0xFFFFFFC0];
	[tilespmem:s1+$0xFFFFFFD0] =	vst v3;
	v4 =	vmul.f32 $4.525483320e+01, v4;
	(pc) =	sbr.rel @p0 .LBB2_33-.Ltmp15, $4  }
0x1f2: {  	v3 =	vld [tilespmem:s16+$0xFFFFFFD0];
	v6 =	vmul.f32 $4.525483320e+01, v6;
	[tilespmem:s1+$0xFFFFFFE0] =	vst v2  }
0x1f3: {  	v2 =	vld [tilespmem:s16+$0xFFFFFFE0];
	v9 =	vmul.f32 $4.525483320e+01, v9;
	[tilespmem:s1+$0xFFFFFFF0] =	vst v4  }
0x1f4: {  	v7 =	vmul.f32 $4.525483320e+01, v7;
	v4 =	vld [tilespmem:s16+$0xFFFFFFF0];
	[tilespmem:s1+$0xFFFFFF90] =	vst v6;
	s1 =	smov.u32 s16  }
0x1f5: {  	s16 =	sadd.s32 $0x400, s16;
	v6 =	vld [tilespmem:s1+$0xFFFFFF90];
	v8 =	vmul.f32 $4.525483320e+01, v8;
	[tilespmem:s1+$0x0] =	vst v9  }
0x1f6: {  	[tilespmem:s1+$0xFFFFFFA0] =	vst v7;
	v5 =	vmul.f32 $4.525483320e+01, v5;
	s5 =	sadd.s32 $0x1, s5  }
0x1f7: {  	[tilespmem:s1+$0xFFFFFFB0] =	vst v8;
	v3 =	vmul.f32 $4.525483320e+01, v3;
	p0 =	sne.s32 s5, $0x8  }
.Ltmp16:
0x1f8: {  	[tilespmem:s1+$0xFFFFFFC0] =	vst v5;
	v2 =	vmul.f32 $4.525483320e+01, v2;
	(pc) =	sbr.rel @p0 .LBB2_32-.Ltmp16, $4  }
0x1f9: {  	[tilespmem:s1+$0xFFFFFFD0] =	vst v3;
	v3 =	vmul.f32 $4.525483320e+01, v4  }
0x1fa: {  	v63 =	vmul.f32 $4.525483320e+01, v6;
	[tilespmem:s1+$0xFFFFFFE0] =	vst v2  }
0x1fb: {  	[tilespmem:s1+$0xFFFFFFF0] =	vst v3  }
0x1fc: {  	s0 =	sadd.s32 $0x80, s0;
	[tilespmem:s1+$0xFFFFFF90] =	vst v63  }
0x1fd: {  	s5 =	simm.s32 $0x0  }
0x1fe: {  	s0 =	rddreg [dreg:$0xa];
	s1 =	simm.s32 $0x4200;
	s30 =	simm.s32 $0xC  }
0x1ff: {  	[hbm4b:s0+s5] =	stream.linear.scatter [tilespmem:s1], [sflag:$0x8], $0x4000, $0x38;
	[tilespmem:$0x18200] =	vst v63  }
0x200: {  	_ =	swait.ge [sflag:s30], $0x4000  }
0x201: {  	[sflag:s30] =	ssyncset.done $0x0  }
0x202: {  	[sflag:s30] =	ssyncadd.s32 $0xFFFFC000  }
0x203: {  	_ =	swait.ge [sflag:s7], $0x4000  }
0x204: {  	[sflag:s7] =	ssyncset.done $0x0  }
0x205: {  	s0 =	simm.s32 $0x8270;
	[sflag:s7] =	ssyncadd.s32 $0xFFFFC000  }
.LBB2_36:
0x206: {  	v4 =	vld [tilespmem:s0+$0x0]  }
0x207: {  	v6 =	vld [tilespmem:s0+$0xFFFFFFA0]  }
0x208: {  	v8 =	vld [tilespmem:s0+$0xFFFFFFB0]  }
0x209: {  	v5 =	vld [tilespmem:s0+$0xFFFFFFC0]  }
0x20a: {  	v3 =	vld [tilespmem:s0+$0xFFFFFFD0]  }
0x20b: {  	v2 =	vld [tilespmem:s0+$0xFFFFFFE0];
	v9 =	vmul.f32 $4.525483320e+01, v4  }
0x20c: {  	v4 =	vld [tilespmem:s0+$0xFFFFFFF0];
	v7 =	vmul.f32 $4.525483320e+01, v6  }
0x20d: {  	s15 =	simm.s32 $0x0;
	s16 =	sadd.s32 $0x400, s0;
	s1 =	smov.u32 s0;
	v6 =	vld [tilespmem:s0+$0xFFFFFF90];
	v8 =	vmul.f32 $4.525483320e+01, v8;
	[tilespmem:s0+$0x0] =	vst v9  }
.LBB2_37:
0x20e: {  	v9 =	vld [tilespmem:s16+$0x0];
	s15 =	sadd.s32 $0x8, s15;
	[tilespmem:s1+$0xFFFFFFA0] =	vst v7;
	v5 =	vmul.f32 $4.525483320e+01, v5  }
0x20f: {  	v7 =	vld [tilespmem:s16+$0xFFFFFFA0];
	p0 =	slt.u32 s15, $0x78;
	[tilespmem:s1+$0xFFFFFFB0] =	vst v8;
	v3 =	vmul.f32 $4.525483320e+01, v3  }
0x210: {  	v8 =	vld [tilespmem:s16+$0xFFFFFFB0];
	[tilespmem:s1+$0xFFFFFFC0] =	vst v5;
	v2 =	vmul.f32 $4.525483320e+01, v2  }
.Ltmp17:
0x211: {  	v5 =	vld [tilespmem:s16+$0xFFFFFFC0];
	[tilespmem:s1+$0xFFFFFFD0] =	vst v3;
	v4 =	vmul.f32 $4.525483320e+01, v4;
	(pc) =	sbr.rel @p0 .LBB2_37-.Ltmp17, $4  }
0x212: {  	v3 =	vld [tilespmem:s16+$0xFFFFFFD0];
	v6 =	vmul.f32 $4.525483320e+01, v6;
	[tilespmem:s1+$0xFFFFFFE0] =	vst v2  }
0x213: {  	v2 =	vld [tilespmem:s16+$0xFFFFFFE0];
	v9 =	vmul.f32 $4.525483320e+01, v9;
	[tilespmem:s1+$0xFFFFFFF0] =	vst v4  }
0x214: {  	v7 =	vmul.f32 $4.525483320e+01, v7;
	v4 =	vld [tilespmem:s16+$0xFFFFFFF0];
	[tilespmem:s1+$0xFFFFFF90] =	vst v6;
	s1 =	smov.u32 s16  }
0x215: {  	s16 =	sadd.s32 $0x400, s16;
	v6 =	vld [tilespmem:s1+$0xFFFFFF90];
	v8 =	vmul.f32 $4.525483320e+01, v8;
	[tilespmem:s1+$0x0] =	vst v9  }
0x216: {  	[tilespmem:s1+$0xFFFFFFA0] =	vst v7;
	v5 =	vmul.f32 $4.525483320e+01, v5;
	s5 =	sadd.s32 $0x1, s5  }
0x217: {  	[tilespmem:s1+$0xFFFFFFB0] =	vst v8;
	v3 =	vmul.f32 $4.525483320e+01, v3;
	p0 =	sne.s32 s5, $0x8  }
.Ltmp18:
0x218: {  	[tilespmem:s1+$0xFFFFFFC0] =	vst v5;
	v2 =	vmul.f32 $4.525483320e+01, v2;
	(pc) =	sbr.rel @p0 .LBB2_36-.Ltmp18, $4  }
0x219: {  	[tilespmem:s1+$0xFFFFFFD0] =	vst v3;
	v3 =	vmul.f32 $4.525483320e+01, v4  }
0x21a: {  	v63 =	vmul.f32 $4.525483320e+01, v6;
	[tilespmem:s1+$0xFFFFFFE0] =	vst v2  }
0x21b: {  	[tilespmem:s1+$0xFFFFFFF0] =	vst v3  }
0x21c: {  	s0 =	sadd.s32 $0x80, s0;
	[tilespmem:s1+$0xFFFFFF90] =	vst v63  }
0x21d: {  	s5 =	simm.s32 $0x0;
	s0 =	rddreg [dreg:$0xb];
	s1 =	simm.s32 $0x8200  }
0x21e: {  	[hbm4b:s0+s5] =	stream.linear.scatter [tilespmem:s1], [sflag:$0x9], $0x4000, $0x38;
	[tilespmem:$0x18200] =	vst v63  }
0x21f: {  	_ =	swait.ge [sflag:s19], $0x4000  }
0x220: {  	[sflag:s19] =	ssyncset.done $0x0  }
0x221: {  	[sflag:s19] =	ssyncadd.s32 $0xFFFFC000  }
0x222: {  	_ =	swait.ge [sflag:s20], $0x4000  }
0x223: {  	[sflag:s20] =	ssyncset.done $0x0  }
0x224: {  	s0 =	simm.s32 $0xC270;
	[sflag:s20] =	ssyncadd.s32 $0xFFFFC000  }
.LBB2_40:
0x225: {  	v4 =	vld [tilespmem:s0+$0x0]  }
0x226: {  	v6 =	vld [tilespmem:s0+$0xFFFFFFA0]  }
0x227: {  	v8 =	vld [tilespmem:s0+$0xFFFFFFB0]  }
0x228: {  	v5 =	vld [tilespmem:s0+$0xFFFFFFC0]  }
0x229: {  	v3 =	vld [tilespmem:s0+$0xFFFFFFD0]  }
0x22a: {  	v2 =	vld [tilespmem:s0+$0xFFFFFFE0];
	v9 =	vmul.f32 $4.525483320e+01, v4  }
0x22b: {  	v4 =	vld [tilespmem:s0+$0xFFFFFFF0];
	v7 =	vmul.f32 $4.525483320e+01, v6  }
0x22c: {  	s15 =	simm.s32 $0x0;
	s16 =	sadd.s32 $0x400, s0;
	s1 =	smov.u32 s0;
	v6 =	vld [tilespmem:s0+$0xFFFFFF90];
	v8 =	vmul.f32 $4.525483320e+01, v8;
	[tilespmem:s0+$0x0] =	vst v9  }
.LBB2_41:
0x22d: {  	v9 =	vld [tilespmem:s16+$0x0];
	s15 =	sadd.s32 $0x8, s15;
	[tilespmem:s1+$0xFFFFFFA0] =	vst v7;
	v5 =	vmul.f32 $4.525483320e+01, v5  }
0x22e: {  	v7 =	vld [tilespmem:s16+$0xFFFFFFA0];
	p0 =	slt.u32 s15, $0x78;
	[tilespmem:s1+$0xFFFFFFB0] =	vst v8;
	v3 =	vmul.f32 $4.525483320e+01, v3  }
0x22f: {  	v8 =	vld [tilespmem:s16+$0xFFFFFFB0];
	[tilespmem:s1+$0xFFFFFFC0] =	vst v5;
	v2 =	vmul.f32 $4.525483320e+01, v2  }
.Ltmp19:
0x230: {  	v5 =	vld [tilespmem:s16+$0xFFFFFFC0];
	[tilespmem:s1+$0xFFFFFFD0] =	vst v3;
	v4 =	vmul.f32 $4.525483320e+01, v4;
	(pc) =	sbr.rel @p0 .LBB2_41-.Ltmp19, $4  }
0x231: {  	v3 =	vld [tilespmem:s16+$0xFFFFFFD0];
	v6 =	vmul.f32 $4.525483320e+01, v6;
	[tilespmem:s1+$0xFFFFFFE0] =	vst v2  }
0x232: {  	v2 =	vld [tilespmem:s16+$0xFFFFFFE0];
	v9 =	vmul.f32 $4.525483320e+01, v9;
	[tilespmem:s1+$0xFFFFFFF0] =	vst v4  }
0x233: {  	v7 =	vmul.f32 $4.525483320e+01, v7;
	v4 =	vld [tilespmem:s16+$0xFFFFFFF0];
	[tilespmem:s1+$0xFFFFFF90] =	vst v6;
	s1 =	smov.u32 s16  }
0x234: {  	s16 =	sadd.s32 $0x400, s16;
	v6 =	vld [tilespmem:s1+$0xFFFFFF90];
	v8 =	vmul.f32 $4.525483320e+01, v8;
	[tilespmem:s1+$0x0] =	vst v9  }
0x235: {  	[tilespmem:s1+$0xFFFFFFA0] =	vst v7;
	v5 =	vmul.f32 $4.525483320e+01, v5;
	s5 =	sadd.s32 $0x1, s5  }
0x236: {  	[tilespmem:s1+$0xFFFFFFB0] =	vst v8;
	v3 =	vmul.f32 $4.525483320e+01, v3;
	p0 =	sne.s32 s5, $0x8  }
.Ltmp20:
0x237: {  	[tilespmem:s1+$0xFFFFFFC0] =	vst v5;
	v2 =	vmul.f32 $4.525483320e+01, v2;
	(pc) =	sbr.rel @p0 .LBB2_40-.Ltmp20, $4  }
0x238: {  	[tilespmem:s1+$0xFFFFFFD0] =	vst v3;
	v3 =	vmul.f32 $4.525483320e+01, v4  }
0x239: {  	v63 =	vmul.f32 $4.525483320e+01, v6;
	[tilespmem:s1+$0xFFFFFFE0] =	vst v2  }
0x23a: {  	[tilespmem:s1+$0xFFFFFFF0] =	vst v3  }
0x23b: {  	s0 =	sadd.s32 $0x80, s0;
	[tilespmem:s1+$0xFFFFFF90] =	vst v63  }
0x23c: {  	s0 =	rddreg [dreg:$0xc]  }
0x23d: {  	[hbm4b:s0+s4] =	stream.linear.scatter [tilespmem:s25], [sflag:$0xA], $0x4000, $0x38;
	[tilespmem:$0x18200] =	vst v63  }
0x23e: {  	_ =	swait.ge [sflag:s21], $0x4000  }
0x23f: {  	[sflag:s21] =	ssyncset.done $0x0  }
0x240: {  	[sflag:s21] =	ssyncadd.s32 $0xFFFFC000  }
0x241: {  	_ =	swait.ge [sflag:s23], $0x4000  }
0x242: {  	[sflag:s23] =	ssyncset.done $0x0  }
0x243: {  	[sflag:s23] =	ssyncadd.s32 $0xFFFFC000  }
0x244: {  	_ =	swait.ge [sflag:s28], $0x4000  }
0x245: {  	s1 =	rddreg [dreg:$0xe]  }
0x246: {  	s30 =	rddreg [dreg:$0xd];
	s1 =	sadd.s32 $0x1, s1  }
0x247: {  	p0 =	sne.s32 s1, s30  }
.Ltmp21:
0x248: {  	_ = 	snop;
	(pc) =	sbr.rel @p0 .LBB2_1-.Ltmp21, $3  }
0x249: {  	_ =	sdelay $0x1  }
0x24a: {  	[sflag:s28] =	ssyncset.done $0x0  }
0x24b: {  	[sflag:s28] =	ssyncadd.s32 $0xFFFFC000  }
0x24c: {  	_ =	sfence.sel $0x180000  }
0x24d: {  	[bflag:$0x0] =	sbarrier.arrive $0xFFFF  }
0x24e: {  	_ =	strace $0x90000047  }
0x24f: {  	s0 =	stileid.u32;
	[bflag:$0x2] =	sbarrier.arrive $0xFFFF  }
0x250: {  	p0 =	sne.s32 s0, $0x0;
	s0 =	rddreg [dreg:$0x3]  }
0x251: {  	s0 =	sadd.s32 @!p0 $0x100000, s0  }
0x252: {  	[sflag:s0] =	ssyncadd.tile.s32 @!p0 $0x1;
	_ =	shalt  }
.Lfunc_end2:
_tile_overlayer_lowered:
.L_overlay_start_2:
0x253: {  	(tag) =	ssettag $0x2  }
0x254: {  	s0 =	rddreg [dreg:$0x0];
	s2 =	stileid.u32  }
0x255: {  	s1 =	rddreg [dreg:$0x1];
	p0 =	sne.s32 s2, $0x0  }
0x256: {  	s3 =	rddreg [dreg:$0x2];
	[bflag:$0x3] =	sbarrier.arrive $0xFFFF;
	s2 =	simm.s32 @!p0 $0x1C0D  }
0x257: {  	[timem:s3], [sflag:s2] =	dma.local @!p0 [hbm:s0], s1  }
0x258: {  	s0 =	simm.s32 @!p0 $0xD  }
0x259: {  	_ =	swait.ge @!p0 [sflag:s0], s1  }
0x25a: {  	s1 =	ssub.s32 @!p0 $0x0, s1;
	[sflag:s0] =	ssyncset.done @!p0 $0x0  }
0x25b: {  	[sflag:s0] =	ssyncadd.s32 @!p0 s1  }
0x25c: {  	[bflag:$0x3] =	sbarrier.arrive $0xFFFF  }
0x25d: {  	_ =	shalt  }

</sc_bundles>
